<compile_context>
chip_gen: v7x
topology: tpu7x:2x2x1
jax: 0.10.2.dev20260603
libtpu: 0.0.44.dev20260713+nightly
codegen_flags: <defaults>
</compile_context>

<pallas_src>
import functools

import jax
import jax.numpy as jnp
from jax import lax
from jax.experimental import pallas as pl
from jax.experimental.pallas import tpu as pltpu
from jax.experimental.pallas import tpu_sc as plsc

N = 10000
D = 128
F = 256
NPAD = 10240
NT = 16
NC = 2
KROWS = 84
EPW = KROWS * 128
E = 160000 + N
EV = E // NT
SW = NPAD // NT
MB = 512


def _tc1_body(x_ref, w_ref, as_ref, ad_ref, hlo_ref, hhi_ref, av_ref, bv_ref):
    h = jnp.dot(x_ref[...], w_ref[...], preferred_element_type=jnp.float32)
    hlo_ref[...] = h[:, :128]
    hhi_ref[...] = h[:, 128:]
    av_ref[...] = jnp.dot(h, as_ref[...], preferred_element_type=jnp.float32)
    bv_ref[...] = jnp.dot(h, ad_ref[...], preferred_element_type=jnp.float32)


def _tc2_body(lo_ref, hi_ref, den_ref, b3lo_ref, b3hi_ref, fwlo_ref, fwhi_ref,
              fb_ref, ow_ref, ob_ref, out_ref):
    d = den_ref[...] + 1e-16
    lo = jnp.maximum(lo_ref[...] / d + b3lo_ref[...], 0.0)
    hi = jnp.maximum(hi_ref[...] / d + b3hi_ref[...], 0.0)
    g = jnp.dot(lo, fwlo_ref[...], preferred_element_type=jnp.float32)
    g = g + jnp.dot(hi, fwhi_ref[...], preferred_element_type=jnp.float32)
    g = jnp.maximum(g + fb_ref[...], 0.0)
    out_ref[...] = jnp.dot(g, ow_ref[...], preferred_element_type=jnp.float32) + ob_ref[...]


def _sc_body(src_hbm, dst_hbm, as_hbm, ad_hbm, hlo_hbm, hhi_hbm,
             acc_out, den_out,
             esrc_v, edst_v, asrow_v, adrow_v, exrow_v, rows_v,
             acc_sh, den_sh, esem, gsem, ssem):
    cid = lax.axis_index("c")
    sid = lax.axis_index("s")
    z16 = jnp.zeros((16,), jnp.float32)

    def _zb(i, c):
        rows_v[0, i // 8, pl.ds((i % 8) * 16, 16)] = z16
        return c
    lax.fori_loop(0, 128 * 8, _zb, 0)
    for c in range(8):
        exrow_v[0, pl.ds(c * 16, 16)] = z16

    def _za(i, c):
        pltpu.sync_copy(rows_v.at[0], acc_sh.at[pl.ds(sid * SW + i * 128, 128)])
        pltpu.sync_copy(exrow_v.at[0], den_sh.at[pl.ds(sid * SW + i * 128, 128)])
        return c
    lax.fori_loop(0, SW // 128, _za, 0)
    plsc.subcore_barrier()

    iota = lax.iota(jnp.int32, 16)

    def _issue_efetch(k):
        j = jnp.bitwise_and(k, 3)
        pltpu.async_copy(src_hbm.at[sid].at[k], esrc_v.at[j], esem.at[j])
        pltpu.async_copy(dst_hbm.at[sid].at[k], edst_v.at[j], esem.at[j])

    def _wait_efetch(k):
        j = jnp.bitwise_and(k, 3)
        pltpu.make_async_copy(src_hbm.at[sid].at[k], esrc_v.at[j], esem.at[j]).wait()
        pltpu.make_async_copy(dst_hbm.at[sid].at[k], edst_v.at[j], esem.at[j]).wait()

    def _issue_gather(k, b):
        j = jnp.bitwise_and(k, 3)

        @pl.when(cid == 0)
        def _():
            pltpu.async_copy(hlo_hbm.at[esrc_v.at[j]], rows_v.at[b], gsem.at[b])

        @pl.when(cid == 1)
        def _():
            pltpu.async_copy(hhi_hbm.at[esrc_v.at[j]], rows_v.at[b], gsem.at[b])

        pltpu.async_copy(as_hbm.at[esrc_v.at[j]], asrow_v.at[b], gsem.at[b])
        pltpu.async_copy(ad_hbm.at[edst_v.at[j]], adrow_v.at[b], gsem.at[b])

    def _wait_gather(k, b):
        j = jnp.bitwise_and(k, 3)
        pltpu.make_async_copy(hlo_hbm.at[esrc_v.at[j]], rows_v.at[b], gsem.at[b]).wait()
        pltpu.make_async_copy(as_hbm.at[esrc_v.at[j]], asrow_v.at[b], gsem.at[b]).wait()
        pltpu.make_async_copy(ad_hbm.at[edst_v.at[j]], adrow_v.at[b], gsem.at[b]).wait()

    def _issue_scatter(k, b):
        j = jnp.bitwise_and(k, 3)
        pltpu.async_copy(rows_v.at[b], acc_sh.at[edst_v.at[j]], ssem.at[b], add=True)
        pltpu.async_copy(exrow_v.at[b], den_sh.at[edst_v.at[j]], ssem.at[b], add=True)

    def _wait_scatter(k, b):
        j = jnp.bitwise_and(k, 3)
        pltpu.make_async_copy(rows_v.at[b], acc_sh.at[edst_v.at[j]], ssem.at[b]).wait()
        pltpu.make_async_copy(exrow_v.at[b], den_sh.at[edst_v.at[j]], ssem.at[b]).wait()

    _issue_efetch(jnp.int32(0))
    _issue_efetch(jnp.int32(1))
    _issue_efetch(jnp.int32(2))
    _wait_efetch(jnp.int32(0))
    _issue_gather(jnp.int32(0), jnp.int32(0))

    def _edge_batch(k, carry):
        p = jnp.bitwise_and(k, 1)
        q = 1 - p
        _wait_gather(k, p)

        @pl.when(k >= 1)
        def _():
            _wait_scatter(k - 1, q)

        @pl.when(k + 1 < KROWS)
        def _():
            _wait_efetch(k + 1)
            _issue_gather(k + 1, q)

        @pl.when(k + 3 < KROWS)
        def _():
            _issue_efetch(k + 3)

        for c in range(8):
            av = asrow_v[p, pl.ds(c * 16, 16)]
            bv = adrow_v[p, pl.ds(c * 16, 16)]
            e = av + bv
            e = jnp.where(e > 0.0, e, 0.2 * e)
            ex = jnp.exp(e)
            gi = k * 128 + c * 16 + iota
            ex = jnp.where(gi < EV, ex, 0.0)
            exrow_v[p, pl.ds(c * 16, 16)] = ex

        def _scale(r, c2):
            ab = plsc.load_gather(exrow_v.at[p], [jnp.full((16,), r, jnp.int32)])
            for cc in range(8):
                rows_v[p, r, pl.ds(cc * 16, 16)] = rows_v[p, r, pl.ds(cc * 16, 16)] * ab
            return c2
        lax.fori_loop(0, 128, _scale, 0)

        _issue_scatter(k, p)
        return carry

    lax.fori_loop(0, KROWS, _edge_batch, 0)
    _wait_scatter(jnp.int32(KROWS - 1), jnp.int32((KROWS - 1) & 1))
    plsc.subcore_barrier()

    pltpu.sync_copy(acc_sh.at[pl.ds(sid * SW, SW)],
                    acc_out.at[cid].at[pl.ds(sid * SW, SW)])
    pltpu.sync_copy(den_sh.at[pl.ds(sid * SW, SW)],
                    den_out.at[cid].at[pl.ds(sid * SW, SW)])


_sc_call = functools.partial(
    pl.kernel,
    out_type=(
        jax.ShapeDtypeStruct((NC, NPAD, 128), jnp.float32),
        jax.ShapeDtypeStruct((NC, NPAD), jnp.float32),
    ),
    mesh=plsc.VectorSubcoreMesh(core_axis_name="c", subcore_axis_name="s",
                                num_cores=NC, num_subcores=NT),
    compiler_params=pltpu.CompilerParams(needs_layout_passes=False),
    scratch_types=[
        pltpu.VMEM((4, 128), jnp.int32),
        pltpu.VMEM((4, 128), jnp.int32),
        pltpu.VMEM((2, 128), jnp.float32),
        pltpu.VMEM((2, 128), jnp.float32),
        pltpu.VMEM((2, 128), jnp.float32),
        pltpu.VMEM((2, 128, 128), jnp.float32),
        pltpu.VMEM_SHARED((NPAD, 128), jnp.float32),
        pltpu.VMEM_SHARED((NPAD,), jnp.float32),
        pltpu.SemaphoreType.DMA((4,)),
        pltpu.SemaphoreType.DMA((2,)),
        pltpu.SemaphoreType.DMA((2,)),
    ],
)


def kernel(x, edge_index, W1, as1, ad1, b1, W2, as2, ad2, b2, W3, as3, ad3, b3,
           fcW, fcb, outW, outb):
    f32 = jnp.float32

    x_pad = jnp.zeros((NPAD, D), f32).at[:N].set(x)
    loops = jnp.arange(N, dtype=edge_index.dtype)
    srcf = jnp.concatenate([edge_index[0], loops])
    dstf = jnp.concatenate([edge_index[1], loops])
    src3 = jnp.zeros((NT, EPW), jnp.int32).at[:, :EV].set(srcf.reshape(NT, EV))
    dst3 = jnp.zeros((NT, EPW), jnp.int32).at[:, :EV].set(dstf.reshape(NT, EV))
    src3 = src3.reshape(NT, KROWS, 128)
    dst3 = dst3.reshape(NT, KROWS, 128)

    grid = (NPAD // MB,)
    hlo, hhi, a_s, a_d = pl.pallas_call(
        _tc1_body,
        grid=grid,
        in_specs=[
            pl.BlockSpec((MB, D), lambda i: (i, 0)),
            pl.BlockSpec((D, F), lambda i: (0, 0)),
            pl.BlockSpec((F, 1), lambda i: (0, 0)),
            pl.BlockSpec((F, 1), lambda i: (0, 0)),
        ],
        out_specs=[
            pl.BlockSpec((MB, 128), lambda i: (i, 0)),
            pl.BlockSpec((MB, 128), lambda i: (i, 0)),
            pl.BlockSpec((MB, 1), lambda i: (i, 0)),
            pl.BlockSpec((MB, 1), lambda i: (i, 0)),
        ],
        out_shape=[
            jax.ShapeDtypeStruct((NPAD, 128), f32),
            jax.ShapeDtypeStruct((NPAD, 128), f32),
            jax.ShapeDtypeStruct((NPAD, 1), f32),
            jax.ShapeDtypeStruct((NPAD, 1), f32),
        ],
    )(x_pad, W3, as3.reshape(F, 1), ad3.reshape(F, 1))

    acc, den = _sc_call(_sc_body)(
        src3, dst3, a_s.reshape(NPAD), a_d.reshape(NPAD), hlo, hhi)

    out_pad = pl.pallas_call(
        _tc2_body,
        grid=grid,
        in_specs=[
            pl.BlockSpec((MB, 128), lambda i: (i, 0)),
            pl.BlockSpec((MB, 128), lambda i: (i, 0)),
            pl.BlockSpec((MB, 1), lambda i: (i, 0)),
            pl.BlockSpec((1, 128), lambda i: (0, 0)),
            pl.BlockSpec((1, 128), lambda i: (0, 0)),
            pl.BlockSpec((128, 128), lambda i: (0, 0)),
            pl.BlockSpec((128, 128), lambda i: (0, 0)),
            pl.BlockSpec((1, 128), lambda i: (0, 0)),
            pl.BlockSpec((128, 128), lambda i: (0, 0)),
            pl.BlockSpec((1, 128), lambda i: (0, 0)),
        ],
        out_specs=pl.BlockSpec((MB, 128), lambda i: (i, 0)),
        out_shape=jax.ShapeDtypeStruct((NPAD, 128), f32),
    )(
        acc[0], acc[1], den[0].reshape(NPAD, 1),
        b3[:128].reshape(1, 128), b3[128:].reshape(1, 128),
        fcW[:128], fcW[128:], fcb.reshape(1, 128),
        jnp.zeros((128, 128), f32).at[:, :6].set(outW),
        jnp.zeros((1, 128), f32).at[0, :6].set(outb),
    )
    return out_pad[:N, :6]

# --- scband reference (transcript-rebuilt; emitter-appended) ---
"""Pipeline reference for scband-gcn-wisdm-attn-1898375545331 (READ-ONLY COPY).

The authoritative reference and input builder live on the scoring server;
editing this copy changes nothing except your own understanding.
"""

import jax, jax.numpy as jnp
import numpy as np

N_NODES = 10000
N_EDGES = 160000
D_FEAT = 128
NUM_CLASS = 6


def _gat_conv(x, src, dst, W, att_s, att_d, bias):
    n = x.shape[0]
    h = x @ W
    a_src = jnp.sum(h * att_s, axis=-1)
    a_dst = jnp.sum(h * att_d, axis=-1)
    e = a_src[src] + a_dst[dst]
    e = jnp.where(e > 0, e, 0.2 * e)  # leaky_relu(0.2), PyG default
    e_max = jax.ops.segment_max(e, dst, num_segments=n)
    ex = jnp.exp(e - e_max[dst])
    denom = jax.ops.segment_sum(ex, dst, num_segments=n)
    alpha = ex / (denom[dst] + 1e-16)
    out = jax.ops.segment_sum(h[src] * alpha[:, None], dst, num_segments=n)
    return out + bias


def setup_inputs(seed: int = 0) -> dict:
    key = jax.random.key(seed)
    ks = jax.random.split(key, 20)
    x = jax.random.normal(ks[0], (N_NODES, D_FEAT), dtype=jnp.float32)
    edge_index = jax.random.randint(ks[1], (2, N_EDGES), 0, N_NODES, dtype=jnp.int32)

    def lin(k, fi, fo):
        return (jax.random.normal(k, (fi, fo), dtype=jnp.float32) / np.sqrt(fi)).astype(jnp.float32)

    def att(k, fo):
        return (jax.random.normal(k, (fo,), dtype=jnp.float32) * 0.1).astype(jnp.float32)

    inp = {
        'x': x,
        'edge_index': edge_index,
        'W1': lin(ks[2], D_FEAT, 1024), 'as1': att(ks[3], 1024), 'ad1': att(ks[4], 1024), 'b1': jnp.zeros((1024,), jnp.float32),
        'W2': lin(ks[5], D_FEAT, 512), 'as2': att(ks[6], 512), 'ad2': att(ks[7], 512), 'b2': jnp.zeros((512,), jnp.float32),
        'W3': lin(ks[8], D_FEAT, 256), 'as3': att(ks[9], 256), 'ad3': att(ks[10], 256), 'b3': jnp.zeros((256,), jnp.float32),
        'fcW': lin(ks[11], 256, 128), 'fcb': jnp.zeros((128,), jnp.float32),
        'outW': lin(ks[12], 128, NUM_CLASS), 'outb': jnp.zeros((NUM_CLASS,), jnp.float32),
    }
    return inp


def reference(x, edge_index, W1, as1, ad1, b1, W2, as2, ad2, b2, W3, as3, ad3, b3, fcW, fcb, outW, outb):
    # PyG GATConv adds self-loops by default
    loops = jnp.arange(x.shape[0], dtype=edge_index.dtype)
    src = jnp.concatenate([edge_index[0], loops])
    dst = jnp.concatenate([edge_index[1], loops])
    # forward computes all three convs (h1, h2 discarded, as in the torch code)
    h1 = jax.nn.relu(_gat_conv(x, src, dst, W1, as1, ad1, b1))
    h2 = jax.nn.relu(_gat_conv(x, src, dst, W2, as2, ad2, b2))
    h = jax.nn.relu(_gat_conv(x, src, dst, W3, as3, ad3, b3))
    h = jax.nn.relu(h @ fcW + fcb)
    out = h @ outW + outb
    return out

if __name__ == "__main__":
    import jax
    _d = setup_inputs()
    print(jax.jit(kernel)(*tuple(_d.values())))

</pallas_src>

<mosaic_0001>
#map = affine_map<(d0, d1) -> (0, 0, 0)>
#map1 = affine_map<(d0, d1) -> (0)>
#map2 = affine_map<(d0, d1) -> (0, 0)>
module attributes {stable_mosaic.version = 14 : i64} {
  func.func @_sc_body(%arg0: i32, %arg1: i32, %arg2: memref<16x84x128xi32, #tpu.memory_space<hbm>>, %arg3: memref<16x84x128xi32, #tpu.memory_space<hbm>>, %arg4: memref<10240xf32, #tpu.memory_space<hbm>>, %arg5: memref<10240xf32, #tpu.memory_space<hbm>>, %arg6: memref<10240x128xf32, #tpu.memory_space<hbm>>, %arg7: memref<10240x128xf32, #tpu.memory_space<hbm>>, %arg8: memref<2x10240x128xf32, #tpu.memory_space<hbm>>, %arg9: memref<2x10240xf32, #tpu.memory_space<hbm>>, %arg10: memref<4x128xi32, #tpu.memory_space<vmem>>, %arg11: memref<4x128xi32, #tpu.memory_space<vmem>>, %arg12: memref<2x128xf32, #tpu.memory_space<vmem>>, %arg13: memref<2x128xf32, #tpu.memory_space<vmem>>, %arg14: memref<2x128xf32, #tpu.memory_space<vmem>>, %arg15: memref<2x128x128xf32, #tpu.memory_space<vmem>>, %arg16: memref<10240x128xf32, #tpu.memory_space<vmem_shared>>, %arg17: memref<10240xf32, #tpu.memory_space<vmem_shared>>, %arg18: memref<4x!tpu.dma_semaphore, #tpu.memory_space<semaphore_mem>>, %arg19: memref<2x!tpu.dma_semaphore, #tpu.memory_space<semaphore_mem>>, %arg20: memref<2x!tpu.dma_semaphore, #tpu.memory_space<semaphore_mem>>) attributes {dimension_semantics = [#tpu.dimension_semantics<core_parallel>, #tpu.dimension_semantics<subcore_parallel>], iteration_bounds = array<i64: 2, 16>, scalar_prefetch = 0 : i64, scratch_operands = 11 : i64, tpu.core_type = #tpu.core_type<sc_vector_subcore>, window_params = [{transform_indices = #map}, {transform_indices = #map}, {transform_indices = #map1}, {transform_indices = #map1}, {transform_indices = #map2}, {transform_indices = #map2}, {transform_indices = #map}, {transform_indices = #map2}]} {
    %broadcast_in_dim3A = arith.constant 0.000000e+00 : f32
    %broadcast_in_dim3A_0 = vector.broadcast %broadcast_in_dim3A : f32 to vector<16xf32>
    %scan3A = arith.constant 0 : i32
    %scan3A_1 = arith.constant 0 : i32
    %scan3A_2 = arith.constant 1024 : i32
    %scan3A_3 = arith.addi %scan3A_1, %scan3A_2 : i32
    %scan3A_4 = arith.constant 1 : i32
    scf.for %scan3A_315 = %scan3A_1 to %scan3A_3 step %scan3A_4  : i32 {
      %jit3A = arith.constant 8 : i32
      %div3A = arith.divsi %scan3A_315, %jit3A : i32
      %sign3A = arith.constant 0 : i32
      %sign3A_316 = arith.cmpi sgt, %scan3A_315, %sign3A : i32
      %sign3A_317 = arith.extui %sign3A_316 : i1 to i32
      %sign3A_318 = arith.constant 0 : i32
      %sign3A_319 = arith.cmpi slt, %scan3A_315, %sign3A_318 : i32
      %sign3A_320 = arith.extui %sign3A_319 : i1 to i32
      %sign3A_321 = arith.subi %sign3A_317, %sign3A_320 : i32
      %sign3A_322 = arith.constant 0 : i32
      %sign3A_323 = arith.cmpi sgt, %jit3A, %sign3A_322 : i32
      %sign3A_324 = arith.extui %sign3A_323 : i1 to i32
      %sign3A_325 = arith.constant 0 : i32
      %sign3A_326 = arith.cmpi slt, %jit3A, %sign3A_325 : i32
      %sign3A_327 = arith.extui %sign3A_326 : i1 to i32
      %sign3A_328 = arith.subi %sign3A_324, %sign3A_327 : i32
      %ne3A = arith.cmpi ne, %sign3A_321, %sign3A_328 : i32
      %rem3A = arith.remsi %scan3A_315, %jit3A : i32
      %ne3A_329 = arith.constant 0 : i32
      %ne3A_330 = arith.cmpi ne, %rem3A, %ne3A_329 : i32
      %and3A_331 = arith.andi %ne3A, %ne3A_330 : i1
      %sub3A = arith.constant 1 : i32
      %sub3A_332 = arith.subi %div3A, %sub3A : i32
      %select_n3A = arith.select %and3A_331, %sub3A_332, %div3A : i32
      %jit3A_333 = arith.constant 8 : i32
      %eq3A_334 = arith.constant 0 : i32
      %eq3A_335 = arith.cmpi eq, %jit3A_333, %eq3A_334 : i32
      %jit3A_336 = arith.constant 1 : i32
      %select_n3A_337 = arith.select %eq3A_335, %jit3A_336, %jit3A_333 : i32
      %rem3A_338 = arith.remsi %scan3A_315, %select_n3A_337 : i32
      %ne3A_339 = arith.constant 0 : i32
      %ne3A_340 = arith.cmpi ne, %rem3A_338, %ne3A_339 : i32
      %lt3A = arith.constant 0 : i32
      %lt3A_341 = arith.cmpi slt, %rem3A_338, %lt3A : i32
      %lt3A_342 = arith.constant 0 : i32
      %lt3A_343 = arith.cmpi slt, %select_n3A_337, %lt3A_342 : i32
      %ne3A_344 = arith.xori %lt3A_341, %lt3A_343 : i1
      %and3A_345 = arith.andi %ne3A_344, %ne3A_340 : i1
      %add3A = arith.addi %rem3A_338, %select_n3A_337 : i32
      %select_n3A_346 = arith.select %and3A_345, %add3A, %rem3A_338 : i32
      %mul3A_347 = arith.constant 16 : i32
      %mul3A_348 = arith.muli %select_n3A_346, %mul3A_347 : i32
      %swap3A_349 = arith.constant 0 : i32
      %swap3A_350 = arith.index_cast %swap3A_349 : i32 to index
      %swap3A_351 = arith.index_cast %select_n3A : i32 to index
      %swap3A_352 = arith.index_cast %mul3A_348 : i32 to index
      %swap3A_353 = tpu.vector_load %arg15[%swap3A_350, %swap3A_351, %swap3A_352] {strides = array<i32>} : memref<2x128x128xf32, #tpu.memory_space<vmem>>, vector<16xf32>,
      tpu.vector_store %arg15[%swap3A_350, %swap3A_351, %swap3A_352], %broadcast_in_dim3A_0 {strides = array<i32>} : memref<2x128x128xf32, #tpu.memory_space<vmem>>, vector<16xf32>,
    }
    %scan3A_5 = arith.constant 1024 : i32
    %swap3A = arith.constant 0 : i32
    %swap3A_6 = arith.index_cast %swap3A : i32 to index
    %swap3A_7 = arith.constant 0 : index
    %swap3A_8 = tpu.vector_load %arg14[%swap3A_6, %swap3A_7] {strides = array<i32>} : memref<2x128xf32, #tpu.memory_space<vmem>>, vector<16xf32>,
    tpu.vector_store %arg14[%swap3A_6, %swap3A_7], %broadcast_in_dim3A_0 {strides = array<i32>} : memref<2x128xf32, #tpu.memory_space<vmem>>, vector<16xf32>,
    %swap3A_9 = arith.constant 0 : i32
    %swap3A_10 = arith.index_cast %swap3A_9 : i32 to index
    %swap3A_11 = arith.constant 16 : index
    %swap3A_12 = tpu.vector_load %arg14[%swap3A_10, %swap3A_11] {strides = array<i32>} : memref<2x128xf32, #tpu.memory_space<vmem>>, vector<16xf32>,
    tpu.vector_store %arg14[%swap3A_10, %swap3A_11], %broadcast_in_dim3A_0 {strides = array<i32>} : memref<2x128xf32, #tpu.memory_space<vmem>>, vector<16xf32>,
    %swap3A_13 = arith.constant 0 : i32
    %swap3A_14 = arith.index_cast %swap3A_13 : i32 to index
    %swap3A_15 = arith.constant 32 : index
    %swap3A_16 = tpu.vector_load %arg14[%swap3A_14, %swap3A_15] {strides = array<i32>} : memref<2x128xf32, #tpu.memory_space<vmem>>, vector<16xf32>,
    tpu.vector_store %arg14[%swap3A_14, %swap3A_15], %broadcast_in_dim3A_0 {strides = array<i32>} : memref<2x128xf32, #tpu.memory_space<vmem>>, vector<16xf32>,
    %swap3A_17 = arith.constant 0 : i32
    %swap3A_18 = arith.index_cast %swap3A_17 : i32 to index
    %swap3A_19 = arith.constant 48 : index
    %swap3A_20 = tpu.vector_load %arg14[%swap3A_18, %swap3A_19] {strides = array<i32>} : memref<2x128xf32, #tpu.memory_space<vmem>>, vector<16xf32>,
    tpu.vector_store %arg14[%swap3A_18, %swap3A_19], %broadcast_in_dim3A_0 {strides = array<i32>} : memref<2x128xf32, #tpu.memory_space<vmem>>, vector<16xf32>,
    %swap3A_21 = arith.constant 0 : i32
    %swap3A_22 = arith.index_cast %swap3A_21 : i32 to index
    %swap3A_23 = arith.constant 64 : index
    %swap3A_24 = tpu.vector_load %arg14[%swap3A_22, %swap3A_23] {strides = array<i32>} : memref<2x128xf32, #tpu.memory_space<vmem>>, vector<16xf32>,
    tpu.vector_store %arg14[%swap3A_22, %swap3A_23], %broadcast_in_dim3A_0 {strides = array<i32>} : memref<2x128xf32, #tpu.memory_space<vmem>>, vector<16xf32>,
    %swap3A_25 = arith.constant 0 : i32
    %swap3A_26 = arith.index_cast %swap3A_25 : i32 to index
    %swap3A_27 = arith.constant 80 : index
    %swap3A_28 = tpu.vector_load %arg14[%swap3A_26, %swap3A_27] {strides = array<i32>} : memref<2x128xf32, #tpu.memory_space<vmem>>, vector<16xf32>,
    tpu.vector_store %arg14[%swap3A_26, %swap3A_27], %broadcast_in_dim3A_0 {strides = array<i32>} : memref<2x128xf32, #tpu.memory_space<vmem>>, vector<16xf32>,
    %swap3A_29 = arith.constant 0 : i32
    %swap3A_30 = arith.index_cast %swap3A_29 : i32 to index
    %swap3A_31 = arith.constant 96 : index
    %swap3A_32 = tpu.vector_load %arg14[%swap3A_30, %swap3A_31] {strides = array<i32>} : memref<2x128xf32, #tpu.memory_space<vmem>>, vector<16xf32>,
    tpu.vector_store %arg14[%swap3A_30, %swap3A_31], %broadcast_in_dim3A_0 {strides = array<i32>} : memref<2x128xf32, #tpu.memory_space<vmem>>, vector<16xf32>,
    %swap3A_33 = arith.constant 0 : i32
    %swap3A_34 = arith.index_cast %swap3A_33 : i32 to index
    %swap3A_35 = arith.constant 112 : index
    %swap3A_36 = tpu.vector_load %arg14[%swap3A_34, %swap3A_35] {strides = array<i32>} : memref<2x128xf32, #tpu.memory_space<vmem>>, vector<16xf32>,
    tpu.vector_store %arg14[%swap3A_34, %swap3A_35], %broadcast_in_dim3A_0 {strides = array<i32>} : memref<2x128xf32, #tpu.memory_space<vmem>>, vector<16xf32>,
    %scan3A_37 = arith.constant 0 : i32
    %scan3A_38 = arith.constant 0 : i32
    %scan3A_39 = arith.constant 5 : i32
    %scan3A_40 = arith.addi %scan3A_38, %scan3A_39 : i32
    %scan3A_41 = arith.constant 1 : i32
    scf.for %scan3A_315 = %scan3A_38 to %scan3A_40 step %scan3A_41  : i32 {
      %mul3A_316 = arith.constant 640 : i32
      %mul3A_317 = arith.muli %arg1, %mul3A_316 : i32
      %mul3A_318 = arith.constant 128 : i32
      %mul3A_319 = arith.muli %scan3A_315, %mul3A_318 : i32
      %add3A = arith.addi %mul3A_317, %mul3A_319 : i32
      %run_scoped3A = arith.constant 0 : i32
      "tpu.region"() ({
        %run_scoped3A_326 = tpu.sem_alloc : memref<!tpu.dma_semaphore, #tpu.memory_space<semaphore_mem>>
        %dma_start3A_327 = arith.constant 0 : i32
        %dma_start3A_328 = arith.constant 0 : i32
        %dma_start3A_329 = tpu.memref_slice %arg15[%run_scoped3A, %dma_start3A_327, %dma_start3A_328] : memref<2x128x128xf32, #tpu.memory_space<vmem>> -> memref<1x128x128xf32, #tpu.memory_space<vmem>>
        %dma_start3A_330 = tpu.memref_squeeze %dma_start3A_329 : memref<1x128x128xf32, #tpu.memory_space<vmem>> -> memref<128x128xf32, #tpu.memory_space<vmem>>
        %dma_start3A_331 = arith.constant 0 : i32
        %dma_start3A_332 = tpu.memref_slice %arg16[%add3A, %dma_start3A_331] : memref<10240x128xf32, #tpu.memory_space<vmem_shared>> -> memref<128x128xf32, #tpu.memory_space<vmem_shared>>
        %dma_start3A_333 = arith.constant 0 : i32
        %dma_start3A_334 = tpu.memref_slice %arg16[%add3A, %dma_start3A_333] : memref<10240x128xf32, #tpu.memory_space<vmem_shared>> -> memref<128x128xf32, #tpu.memory_space<vmem_shared>>
        %dma_start3A_335 = arith.constant 0 : i32
        %dma_start3A_336 = arith.constant 0 : i32
        %dma_start3A_337 = tpu.memref_slice %arg15[%run_scoped3A, %dma_start3A_335, %dma_start3A_336] : memref<2x128x128xf32, #tpu.memory_space<vmem>> -> memref<1x128x128xf32, #tpu.memory_space<vmem>>
        %dma_start3A_338 = tpu.memref_squeeze %dma_start3A_337 : memref<1x128x128xf32, #tpu.memory_space<vmem>> -> memref<128x128xf32, #tpu.memory_space<vmem>>
        tpu.enqueue_dma source(%dma_start3A_338 : memref<128x128xf32, #tpu.memory_space<vmem>>) target(%dma_start3A_334 : memref<128x128xf32, #tpu.memory_space<vmem_shared>>) target_semaphore(%run_scoped3A_326 : memref<!tpu.dma_semaphore, #tpu.memory_space<semaphore_mem>>)
        %dma_wait3A_339 = arith.constant 0 : i32
        %dma_wait3A_340 = arith.constant 0 : i32
        %dma_wait3A_341 = tpu.memref_slice %arg15[%run_scoped3A, %dma_wait3A_339, %dma_wait3A_340] : memref<2x128x128xf32, #tpu.memory_space<vmem>> -> memref<1x128x128xf32, #tpu.memory_space<vmem>>
        %dma_wait3A_342 = tpu.memref_squeeze %dma_wait3A_341 : memref<1x128x128xf32, #tpu.memory_space<vmem>> -> memref<128x128xf32, #tpu.memory_space<vmem>>
        %dma_wait3A_343 = arith.constant 0 : i32
        %dma_wait3A_344 = tpu.memref_slice %arg16[%add3A, %dma_wait3A_343] : memref<10240x128xf32, #tpu.memory_space<vmem_shared>> -> memref<128x128xf32, #tpu.memory_space<vmem_shared>>
        %dma_wait3A_345 = arith.constant 0 : i32
        %dma_wait3A_346 = tpu.memref_slice %arg16[%add3A, %dma_wait3A_345] : memref<10240x128xf32, #tpu.memory_space<vmem_shared>> -> memref<128x128xf32, #tpu.memory_space<vmem_shared>>
        %dma_wait3A_347 = arith.constant 0 : i32
        %dma_wait3A_348 = arith.constant 0 : i32
        %dma_wait3A_349 = tpu.memref_slice %arg15[%run_scoped3A, %dma_wait3A_347, %dma_wait3A_348] : memref<2x128x128xf32, #tpu.memory_space<vmem>> -> memref<1x128x128xf32, #tpu.memory_space<vmem>>
        %dma_wait3A_350 = tpu.memref_squeeze %dma_wait3A_349 : memref<1x128x128xf32, #tpu.memory_space<vmem>> -> memref<128x128xf32, #tpu.memory_space<vmem>>
        tpu.wait_dma2 semaphore(%run_scoped3A_326 : memref<!tpu.dma_semaphore, #tpu.memory_space<semaphore_mem>>) src(%dma_wait3A_350 : memref<128x128xf32, #tpu.memory_space<vmem>>) dst(%dma_wait3A_346 : memref<128x128xf32, #tpu.memory_space<vmem_shared>>)
        tpu.yield
      }) : () -> ()
      %mul3A_320 = arith.constant 640 : i32
      %mul3A_321 = arith.muli %arg1, %mul3A_320 : i32
      %mul3A_322 = arith.constant 128 : i32
      %mul3A_323 = arith.muli %scan3A_315, %mul3A_322 : i32
      %add3A_324 = arith.addi %mul3A_321, %mul3A_323 : i32
      %run_scoped3A_325 = arith.constant 0 : i32
      "tpu.region"() ({
        %run_scoped3A_326 = tpu.sem_alloc : memref<!tpu.dma_semaphore, #tpu.memory_space<semaphore_mem>>
        %dma_start3A_327 = arith.constant 0 : i32
        %dma_start3A_328 = tpu.memref_slice %arg14[%run_scoped3A_325, %dma_start3A_327] : memref<2x128xf32, #tpu.memory_space<vmem>> -> memref<1x128xf32, #tpu.memory_space<vmem>>
        %dma_start3A_329 = tpu.memref_squeeze %dma_start3A_328 : memref<1x128xf32, #tpu.memory_space<vmem>> -> memref<128xf32, #tpu.memory_space<vmem>>
        %dma_start3A_330 = tpu.memref_slice %arg17[%add3A_324] : memref<10240xf32, #tpu.memory_space<vmem_shared>> -> memref<128xf32, #tpu.memory_space<vmem_shared>>
        %dma_start3A_331 = tpu.memref_slice %arg17[%add3A_324] : memref<10240xf32, #tpu.memory_space<vmem_shared>> -> memref<128xf32, #tpu.memory_space<vmem_shared>>
        %dma_start3A_332 = arith.constant 0 : i32
        %dma_start3A_333 = tpu.memref_slice %arg14[%run_scoped3A_325, %dma_start3A_332] : memref<2x128xf32, #tpu.memory_space<vmem>> -> memref<1x128xf32, #tpu.memory_space<vmem>>
        %dma_start3A_334 = tpu.memref_squeeze %dma_start3A_333 : memref<1x128xf32, #tpu.memory_space<vmem>> -> memref<128xf32, #tpu.memory_space<vmem>>
        tpu.enqueue_dma source(%dma_start3A_334 : memref<128xf32, #tpu.memory_space<vmem>>) target(%dma_start3A_331 : memref<128xf32, #tpu.memory_space<vmem_shared>>) target_semaphore(%run_scoped3A_326 : memref<!tpu.dma_semaphore, #tpu.memory_space<semaphore_mem>>)
        %dma_wait3A_335 = arith.constant 0 : i32
        %dma_wait3A_336 = tpu.memref_slice %arg14[%run_scoped3A_325, %dma_wait3A_335] : memref<2x128xf32, #tpu.memory_space<vmem>> -> memref<1x128xf32, #tpu.memory_space<vmem>>
        %dma_wait3A_337 = tpu.memref_squeeze %dma_wait3A_336 : memref<1x128xf32, #tpu.memory_space<vmem>> -> memref<128xf32, #tpu.memory_space<vmem>>
        %dma_wait3A_338 = tpu.memref_slice %arg17[%add3A_324] : memref<10240xf32, #tpu.memory_space<vmem_shared>> -> memref<128xf32, #tpu.memory_space<vmem_shared>>
        %dma_wait3A_339 = tpu.memref_slice %arg17[%add3A_324] : memref<10240xf32, #tpu.memory_space<vmem_shared>> -> memref<128xf32, #tpu.memory_space<vmem_shared>>
        %dma_wait3A_340 = arith.constant 0 : i32
        %dma_wait3A_341 = tpu.memref_slice %arg14[%run_scoped3A_325, %dma_wait3A_340] : memref<2x128xf32, #tpu.memory_space<vmem>> -> memref<1x128xf32, #tpu.memory_space<vmem>>
        %dma_wait3A_342 = tpu.memref_squeeze %dma_wait3A_341 : memref<1x128xf32, #tpu.memory_space<vmem>> -> memref<128xf32, #tpu.memory_space<vmem>>
        tpu.wait_dma2 semaphore(%run_scoped3A_326 : memref<!tpu.dma_semaphore, #tpu.memory_space<semaphore_mem>>) src(%dma_wait3A_342 : memref<128xf32, #tpu.memory_space<vmem>>) dst(%dma_wait3A_339 : memref<128xf32, #tpu.memory_space<vmem_shared>>)
        tpu.yield
      }) : () -> ()
    }
    %scan3A_42 = arith.constant 5 : i32
    %barrier3A = arith.constant 0 : index
    tpu.barrier barrier_id(%barrier3A)
    %iota3A = tpu.iota {dimensions = array<i32: 0>} : vector<16xi32>
    %and3A = arith.constant 0 : i32
    %and3A_43 = arith.constant 3 : i32
    %and3A_44 = arith.andi %and3A, %and3A_43 : i32
    %dma_start3A = arith.constant 0 : i32
    %dma_start3A_45 = arith.constant 0 : i32
    %dma_start3A_46 = tpu.memref_slice %arg10[%and3A_44, %dma_start3A_45] : memref<4x128xi32, #tpu.memory_space<vmem>> -> memref<1x128xi32, #tpu.memory_space<vmem>>
    %dma_start3A_47 = tpu.memref_squeeze %dma_start3A_46 : memref<1x128xi32, #tpu.memory_space<vmem>> -> memref<128xi32, #tpu.memory_space<vmem>>
    %dma_start3A_48 = arith.constant 0 : i32
    %dma_start3A_49 = arith.constant 0 : i32
    %dma_start3A_50 = tpu.memref_slice %arg2[%arg1, %dma_start3A_48, %dma_start3A_49] : memref<16x84x128xi32, #tpu.memory_space<hbm>> -> memref<1x84x128xi32, #tpu.memory_space<hbm>>
    %dma_start3A_51 = tpu.memref_squeeze %dma_start3A_50 : memref<1x84x128xi32, #tpu.memory_space<hbm>> -> memref<84x128xi32, #tpu.memory_space<hbm>>
    %dma_start3A_52 = arith.constant 0 : i32
    %dma_start3A_53 = tpu.memref_slice %dma_start3A_51[%dma_start3A, %dma_start3A_52] : memref<84x128xi32, #tpu.memory_space<hbm>> -> memref<1x128xi32, #tpu.memory_space<hbm>>
    %dma_start3A_54 = tpu.memref_squeeze %dma_start3A_53 : memref<1x128xi32, #tpu.memory_space<hbm>> -> memref<128xi32, #tpu.memory_space<hbm>>
    %dma_start3A_55 = tpu.memref_slice %arg18[%and3A_44] : memref<4x!tpu.dma_semaphore, #tpu.memory_space<semaphore_mem>> -> memref<1x!tpu.dma_semaphore, #tpu.memory_space<semaphore_mem>>
    %dma_start3A_56 = tpu.memref_squeeze %dma_start3A_55 : memref<1x!tpu.dma_semaphore, #tpu.memory_space<semaphore_mem>> -> memref<!tpu.dma_semaphore, #tpu.memory_space<semaphore_mem>>
    %dma_start3A_57 = arith.constant 0 : i32
    %dma_start3A_58 = tpu.memref_slice %arg10[%and3A_44, %dma_start3A_57] : memref<4x128xi32, #tpu.memory_space<vmem>> -> memref<1x128xi32, #tpu.memory_space<vmem>>
    %dma_start3A_59 = tpu.memref_squeeze %dma_start3A_58 : memref<1x128xi32, #tpu.memory_space<vmem>> -> memref<128xi32, #tpu.memory_space<vmem>>
    %dma_start3A_60 = arith.constant 0 : i32
    %dma_start3A_61 = arith.constant 0 : i32
    %dma_start3A_62 = tpu.memref_slice %arg2[%arg1, %dma_start3A_60, %dma_start3A_61] : memref<16x84x128xi32, #tpu.memory_space<hbm>> -> memref<1x84x128xi32, #tpu.memory_space<hbm>>
    %dma_start3A_63 = tpu.memref_squeeze %dma_start3A_62 : memref<1x84x128xi32, #tpu.memory_space<hbm>> -> memref<84x128xi32, #tpu.memory_space<hbm>>
    %dma_start3A_64 = arith.constant 0 : i32
    %dma_start3A_65 = tpu.memref_slice %dma_start3A_63[%dma_start3A, %dma_start3A_64] : memref<84x128xi32, #tpu.memory_space<hbm>> -> memref<1x128xi32, #tpu.memory_space<hbm>>
    %dma_start3A_66 = tpu.memref_squeeze %dma_start3A_65 : memref<1x128xi32, #tpu.memory_space<hbm>> -> memref<128xi32, #tpu.memory_space<hbm>>
    tpu.enqueue_dma source(%dma_start3A_66 : memref<128xi32, #tpu.memory_space<hbm>>) target(%dma_start3A_59 : memref<128xi32, #tpu.memory_space<vmem>>) target_semaphore(%dma_start3A_56 : memref<!tpu.dma_semaphore, #tpu.memory_space<semaphore_mem>>)
    %dma_start3A_67 = arith.constant 0 : i32
    %dma_start3A_68 = arith.constant 0 : i32
    %dma_start3A_69 = tpu.memref_slice %arg11[%and3A_44, %dma_start3A_68] : memref<4x128xi32, #tpu.memory_space<vmem>> -> memref<1x128xi32, #tpu.memory_space<vmem>>
    %dma_start3A_70 = tpu.memref_squeeze %dma_start3A_69 : memref<1x128xi32, #tpu.memory_space<vmem>> -> memref<128xi32, #tpu.memory_space<vmem>>
    %dma_start3A_71 = arith.constant 0 : i32
    %dma_start3A_72 = arith.constant 0 : i32
    %dma_start3A_73 = tpu.memref_slice %arg3[%arg1, %dma_start3A_71, %dma_start3A_72] : memref<16x84x128xi32, #tpu.memory_space<hbm>> -> memref<1x84x128xi32, #tpu.memory_space<hbm>>
    %dma_start3A_74 = tpu.memref_squeeze %dma_start3A_73 : memref<1x84x128xi32, #tpu.memory_space<hbm>> -> memref<84x128xi32, #tpu.memory_space<hbm>>
    %dma_start3A_75 = arith.constant 0 : i32
    %dma_start3A_76 = tpu.memref_slice %dma_start3A_74[%dma_start3A_67, %dma_start3A_75] : memref<84x128xi32, #tpu.memory_space<hbm>> -> memref<1x128xi32, #tpu.memory_space<hbm>>
    %dma_start3A_77 = tpu.memref_squeeze %dma_start3A_76 : memref<1x128xi32, #tpu.memory_space<hbm>> -> memref<128xi32, #tpu.memory_space<hbm>>
    %dma_start3A_78 = tpu.memref_slice %arg18[%and3A_44] : memref<4x!tpu.dma_semaphore, #tpu.memory_space<semaphore_mem>> -> memref<1x!tpu.dma_semaphore, #tpu.memory_space<semaphore_mem>>
    %dma_start3A_79 = tpu.memref_squeeze %dma_start3A_78 : memref<1x!tpu.dma_semaphore, #tpu.memory_space<semaphore_mem>> -> memref<!tpu.dma_semaphore, #tpu.memory_space<semaphore_mem>>
    %dma_start3A_80 = arith.constant 0 : i32
    %dma_start3A_81 = tpu.memref_slice %arg11[%and3A_44, %dma_start3A_80] : memref<4x128xi32, #tpu.memory_space<vmem>> -> memref<1x128xi32, #tpu.memory_space<vmem>>
    %dma_start3A_82 = tpu.memref_squeeze %dma_start3A_81 : memref<1x128xi32, #tpu.memory_space<vmem>> -> memref<128xi32, #tpu.memory_space<vmem>>
    %dma_start3A_83 = arith.constant 0 : i32
    %dma_start3A_84 = arith.constant 0 : i32
    %dma_start3A_85 = tpu.memref_slice %arg3[%arg1, %dma_start3A_83, %dma_start3A_84] : memref<16x84x128xi32, #tpu.memory_space<hbm>> -> memref<1x84x128xi32, #tpu.memory_space<hbm>>
    %dma_start3A_86 = tpu.memref_squeeze %dma_start3A_85 : memref<1x84x128xi32, #tpu.memory_space<hbm>> -> memref<84x128xi32, #tpu.memory_space<hbm>>
    %dma_start3A_87 = arith.constant 0 : i32
    %dma_start3A_88 = tpu.memref_slice %dma_start3A_86[%dma_start3A_67, %dma_start3A_87] : memref<84x128xi32, #tpu.memory_space<hbm>> -> memref<1x128xi32, #tpu.memory_space<hbm>>
    %dma_start3A_89 = tpu.memref_squeeze %dma_start3A_88 : memref<1x128xi32, #tpu.memory_space<hbm>> -> memref<128xi32, #tpu.memory_space<hbm>>
    tpu.enqueue_dma source(%dma_start3A_89 : memref<128xi32, #tpu.memory_space<hbm>>) target(%dma_start3A_82 : memref<128xi32, #tpu.memory_space<vmem>>) target_semaphore(%dma_start3A_79 : memref<!tpu.dma_semaphore, #tpu.memory_space<semaphore_mem>>)
    %and3A_90 = arith.constant 1 : i32
    %and3A_91 = arith.constant 3 : i32
    %and3A_92 = arith.andi %and3A_90, %and3A_91 : i32
    %dma_start3A_93 = arith.constant 1 : i32
    %dma_start3A_94 = arith.constant 0 : i32
    %dma_start3A_95 = tpu.memref_slice %arg10[%and3A_92, %dma_start3A_94] : memref<4x128xi32, #tpu.memory_space<vmem>> -> memref<1x128xi32, #tpu.memory_space<vmem>>
    %dma_start3A_96 = tpu.memref_squeeze %dma_start3A_95 : memref<1x128xi32, #tpu.memory_space<vmem>> -> memref<128xi32, #tpu.memory_space<vmem>>
    %dma_start3A_97 = arith.constant 0 : i32
    %dma_start3A_98 = arith.constant 0 : i32
    %dma_start3A_99 = tpu.memref_slice %arg2[%arg1, %dma_start3A_97, %dma_start3A_98] : memref<16x84x128xi32, #tpu.memory_space<hbm>> -> memref<1x84x128xi32, #tpu.memory_space<hbm>>
    %dma_start3A_100 = tpu.memref_squeeze %dma_start3A_99 : memref<1x84x128xi32, #tpu.memory_space<hbm>> -> memref<84x128xi32, #tpu.memory_space<hbm>>
    %dma_start3A_101 = arith.constant 0 : i32
    %dma_start3A_102 = tpu.memref_slice %dma_start3A_100[%dma_start3A_93, %dma_start3A_101] : memref<84x128xi32, #tpu.memory_space<hbm>> -> memref<1x128xi32, #tpu.memory_space<hbm>>
    %dma_start3A_103 = tpu.memref_squeeze %dma_start3A_102 : memref<1x128xi32, #tpu.memory_space<hbm>> -> memref<128xi32, #tpu.memory_space<hbm>>
    %dma_start3A_104 = tpu.memref_slice %arg18[%and3A_92] : memref<4x!tpu.dma_semaphore, #tpu.memory_space<semaphore_mem>> -> memref<1x!tpu.dma_semaphore, #tpu.memory_space<semaphore_mem>>
    %dma_start3A_105 = tpu.memref_squeeze %dma_start3A_104 : memref<1x!tpu.dma_semaphore, #tpu.memory_space<semaphore_mem>> -> memref<!tpu.dma_semaphore, #tpu.memory_space<semaphore_mem>>
    %dma_start3A_106 = arith.constant 0 : i32
    %dma_start3A_107 = tpu.memref_slice %arg10[%and3A_92, %dma_start3A_106] : memref<4x128xi32, #tpu.memory_space<vmem>> -> memref<1x128xi32, #tpu.memory_space<vmem>>
    %dma_start3A_108 = tpu.memref_squeeze %dma_start3A_107 : memref<1x128xi32, #tpu.memory_space<vmem>> -> memref<128xi32, #tpu.memory_space<vmem>>
    %dma_start3A_109 = arith.constant 0 : i32
    %dma_start3A_110 = arith.constant 0 : i32
    %dma_start3A_111 = tpu.memref_slice %arg2[%arg1, %dma_start3A_109, %dma_start3A_110] : memref<16x84x128xi32, #tpu.memory_space<hbm>> -> memref<1x84x128xi32, #tpu.memory_space<hbm>>
    %dma_start3A_112 = tpu.memref_squeeze %dma_start3A_111 : memref<1x84x128xi32, #tpu.memory_space<hbm>> -> memref<84x128xi32, #tpu.memory_space<hbm>>
    %dma_start3A_113 = arith.constant 0 : i32
    %dma_start3A_114 = tpu.memref_slice %dma_start3A_112[%dma_start3A_93, %dma_start3A_113] : memref<84x128xi32, #tpu.memory_space<hbm>> -> memref<1x128xi32, #tpu.memory_space<hbm>>
    %dma_start3A_115 = tpu.memref_squeeze %dma_start3A_114 : memref<1x128xi32, #tpu.memory_space<hbm>> -> memref<128xi32, #tpu.memory_space<hbm>>
    tpu.enqueue_dma source(%dma_start3A_115 : memref<128xi32, #tpu.memory_space<hbm>>) target(%dma_start3A_108 : memref<128xi32, #tpu.memory_space<vmem>>) target_semaphore(%dma_start3A_105 : memref<!tpu.dma_semaphore, #tpu.memory_space<semaphore_mem>>)
    %dma_start3A_116 = arith.constant 1 : i32
    %dma_start3A_117 = arith.constant 0 : i32
    %dma_start3A_118 = tpu.memref_slice %arg11[%and3A_92, %dma_start3A_117] : memref<4x128xi32, #tpu.memory_space<vmem>> -> memref<1x128xi32, #tpu.memory_space<vmem>>
    %dma_start3A_119 = tpu.memref_squeeze %dma_start3A_118 : memref<1x128xi32, #tpu.memory_space<vmem>> -> memref<128xi32, #tpu.memory_space<vmem>>
    %dma_start3A_120 = arith.constant 0 : i32
    %dma_start3A_121 = arith.constant 0 : i32
    %dma_start3A_122 = tpu.memref_slice %arg3[%arg1, %dma_start3A_120, %dma_start3A_121] : memref<16x84x128xi32, #tpu.memory_space<hbm>> -> memref<1x84x128xi32, #tpu.memory_space<hbm>>
    %dma_start3A_123 = tpu.memref_squeeze %dma_start3A_122 : memref<1x84x128xi32, #tpu.memory_space<hbm>> -> memref<84x128xi32, #tpu.memory_space<hbm>>
    %dma_start3A_124 = arith.constant 0 : i32
    %dma_start3A_125 = tpu.memref_slice %dma_start3A_123[%dma_start3A_116, %dma_start3A_124] : memref<84x128xi32, #tpu.memory_space<hbm>> -> memref<1x128xi32, #tpu.memory_space<hbm>>
    %dma_start3A_126 = tpu.memref_squeeze %dma_start3A_125 : memref<1x128xi32, #tpu.memory_space<hbm>> -> memref<128xi32, #tpu.memory_space<hbm>>
    %dma_start3A_127 = tpu.memref_slice %arg18[%and3A_92] : memref<4x!tpu.dma_semaphore, #tpu.memory_space<semaphore_mem>> -> memref<1x!tpu.dma_semaphore, #tpu.memory_space<semaphore_mem>>
    %dma_start3A_128 = tpu.memref_squeeze %dma_start3A_127 : memref<1x!tpu.dma_semaphore, #tpu.memory_space<semaphore_mem>> -> memref<!tpu.dma_semaphore, #tpu.memory_space<semaphore_mem>>
    %dma_start3A_129 = arith.constant 0 : i32
    %dma_start3A_130 = tpu.memref_slice %arg11[%and3A_92, %dma_start3A_129] : memref<4x128xi32, #tpu.memory_space<vmem>> -> memref<1x128xi32, #tpu.memory_space<vmem>>
    %dma_start3A_131 = tpu.memref_squeeze %dma_start3A_130 : memref<1x128xi32, #tpu.memory_space<vmem>> -> memref<128xi32, #tpu.memory_space<vmem>>
    %dma_start3A_132 = arith.constant 0 : i32
    %dma_start3A_133 = arith.constant 0 : i32
    %dma_start3A_134 = tpu.memref_slice %arg3[%arg1, %dma_start3A_132, %dma_start3A_133] : memref<16x84x128xi32, #tpu.memory_space<hbm>> -> memref<1x84x128xi32, #tpu.memory_space<hbm>>
    %dma_start3A_135 = tpu.memref_squeeze %dma_start3A_134 : memref<1x84x128xi32, #tpu.memory_space<hbm>> -> memref<84x128xi32, #tpu.memory_space<hbm>>
    %dma_start3A_136 = arith.constant 0 : i32
    %dma_start3A_137 = tpu.memref_slice %dma_start3A_135[%dma_start3A_116, %dma_start3A_136] : memref<84x128xi32, #tpu.memory_space<hbm>> -> memref<1x128xi32, #tpu.memory_space<hbm>>
    %dma_start3A_138 = tpu.memref_squeeze %dma_start3A_137 : memref<1x128xi32, #tpu.memory_space<hbm>> -> memref<128xi32, #tpu.memory_space<hbm>>
    tpu.enqueue_dma source(%dma_start3A_138 : memref<128xi32, #tpu.memory_space<hbm>>) target(%dma_start3A_131 : memref<128xi32, #tpu.memory_space<vmem>>) target_semaphore(%dma_start3A_128 : memref<!tpu.dma_semaphore, #tpu.memory_space<semaphore_mem>>)
    %and3A_139 = arith.constant 2 : i32
    %and3A_140 = arith.constant 3 : i32
    %and3A_141 = arith.andi %and3A_139, %and3A_140 : i32
    %dma_start3A_142 = arith.constant 2 : i32
    %dma_start3A_143 = arith.constant 0 : i32
    %dma_start3A_144 = tpu.memref_slice %arg10[%and3A_141, %dma_start3A_143] : memref<4x128xi32, #tpu.memory_space<vmem>> -> memref<1x128xi32, #tpu.memory_space<vmem>>
    %dma_start3A_145 = tpu.memref_squeeze %dma_start3A_144 : memref<1x128xi32, #tpu.memory_space<vmem>> -> memref<128xi32, #tpu.memory_space<vmem>>
    %dma_start3A_146 = arith.constant 0 : i32
    %dma_start3A_147 = arith.constant 0 : i32
    %dma_start3A_148 = tpu.memref_slice %arg2[%arg1, %dma_start3A_146, %dma_start3A_147] : memref<16x84x128xi32, #tpu.memory_space<hbm>> -> memref<1x84x128xi32, #tpu.memory_space<hbm>>
    %dma_start3A_149 = tpu.memref_squeeze %dma_start3A_148 : memref<1x84x128xi32, #tpu.memory_space<hbm>> -> memref<84x128xi32, #tpu.memory_space<hbm>>
    %dma_start3A_150 = arith.constant 0 : i32
    %dma_start3A_151 = tpu.memref_slice %dma_start3A_149[%dma_start3A_142, %dma_start3A_150] : memref<84x128xi32, #tpu.memory_space<hbm>> -> memref<1x128xi32, #tpu.memory_space<hbm>>
    %dma_start3A_152 = tpu.memref_squeeze %dma_start3A_151 : memref<1x128xi32, #tpu.memory_space<hbm>> -> memref<128xi32, #tpu.memory_space<hbm>>
    %dma_start3A_153 = tpu.memref_slice %arg18[%and3A_141] : memref<4x!tpu.dma_semaphore, #tpu.memory_space<semaphore_mem>> -> memref<1x!tpu.dma_semaphore, #tpu.memory_space<semaphore_mem>>
    %dma_start3A_154 = tpu.memref_squeeze %dma_start3A_153 : memref<1x!tpu.dma_semaphore, #tpu.memory_space<semaphore_mem>> -> memref<!tpu.dma_semaphore, #tpu.memory_space<semaphore_mem>>
    %dma_start3A_155 = arith.constant 0 : i32
    %dma_start3A_156 = tpu.memref_slice %arg10[%and3A_141, %dma_start3A_155] : memref<4x128xi32, #tpu.memory_space<vmem>> -> memref<1x128xi32, #tpu.memory_space<vmem>>
    %dma_start3A_157 = tpu.memref_squeeze %dma_start3A_156 : memref<1x128xi32, #tpu.memory_space<vmem>> -> memref<128xi32, #tpu.memory_space<vmem>>
    %dma_start3A_158 = arith.constant 0 : i32
    %dma_start3A_159 = arith.constant 0 : i32
    %dma_start3A_160 = tpu.memref_slice %arg2[%arg1, %dma_start3A_158, %dma_start3A_159] : memref<16x84x128xi32, #tpu.memory_space<hbm>> -> memref<1x84x128xi32, #tpu.memory_space<hbm>>
    %dma_start3A_161 = tpu.memref_squeeze %dma_start3A_160 : memref<1x84x128xi32, #tpu.memory_space<hbm>> -> memref<84x128xi32, #tpu.memory_space<hbm>>
    %dma_start3A_162 = arith.constant 0 : i32
    %dma_start3A_163 = tpu.memref_slice %dma_start3A_161[%dma_start3A_142, %dma_start3A_162] : memref<84x128xi32, #tpu.memory_space<hbm>> -> memref<1x128xi32, #tpu.memory_space<hbm>>
    %dma_start3A_164 = tpu.memref_squeeze %dma_start3A_163 : memref<1x128xi32, #tpu.memory_space<hbm>> -> memref<128xi32, #tpu.memory_space<hbm>>
    tpu.enqueue_dma source(%dma_start3A_164 : memref<128xi32, #tpu.memory_space<hbm>>) target(%dma_start3A_157 : memref<128xi32, #tpu.memory_space<vmem>>) target_semaphore(%dma_start3A_154 : memref<!tpu.dma_semaphore, #tpu.memory_space<semaphore_mem>>)
    %dma_start3A_165 = arith.constant 2 : i32
    %dma_start3A_166 = arith.constant 0 : i32
    %dma_start3A_167 = tpu.memref_slice %arg11[%and3A_141, %dma_start3A_166] : memref<4x128xi32, #tpu.memory_space<vmem>> -> memref<1x128xi32, #tpu.memory_space<vmem>>
    %dma_start3A_168 = tpu.memref_squeeze %dma_start3A_167 : memref<1x128xi32, #tpu.memory_space<vmem>> -> memref<128xi32, #tpu.memory_space<vmem>>
    %dma_start3A_169 = arith.constant 0 : i32
    %dma_start3A_170 = arith.constant 0 : i32
    %dma_start3A_171 = tpu.memref_slice %arg3[%arg1, %dma_start3A_169, %dma_start3A_170] : memref<16x84x128xi32, #tpu.memory_space<hbm>> -> memref<1x84x128xi32, #tpu.memory_space<hbm>>
    %dma_start3A_172 = tpu.memref_squeeze %dma_start3A_171 : memref<1x84x128xi32, #tpu.memory_space<hbm>> -> memref<84x128xi32, #tpu.memory_space<hbm>>
    %dma_start3A_173 = arith.constant 0 : i32
    %dma_start3A_174 = tpu.memref_slice %dma_start3A_172[%dma_start3A_165, %dma_start3A_173] : memref<84x128xi32, #tpu.memory_space<hbm>> -> memref<1x128xi32, #tpu.memory_space<hbm>>
    %dma_start3A_175 = tpu.memref_squeeze %dma_start3A_174 : memref<1x128xi32, #tpu.memory_space<hbm>> -> memref<128xi32, #tpu.memory_space<hbm>>
    %dma_start3A_176 = tpu.memref_slice %arg18[%and3A_141] : memref<4x!tpu.dma_semaphore, #tpu.memory_space<semaphore_mem>> -> memref<1x!tpu.dma_semaphore, #tpu.memory_space<semaphore_mem>>
    %dma_start3A_177 = tpu.memref_squeeze %dma_start3A_176 : memref<1x!tpu.dma_semaphore, #tpu.memory_space<semaphore_mem>> -> memref<!tpu.dma_semaphore, #tpu.memory_space<semaphore_mem>>
    %dma_start3A_178 = arith.constant 0 : i32
    %dma_start3A_179 = tpu.memref_slice %arg11[%and3A_141, %dma_start3A_178] : memref<4x128xi32, #tpu.memory_space<vmem>> -> memref<1x128xi32, #tpu.memory_space<vmem>>
    %dma_start3A_180 = tpu.memref_squeeze %dma_start3A_179 : memref<1x128xi32, #tpu.memory_space<vmem>> -> memref<128xi32, #tpu.memory_space<vmem>>
    %dma_start3A_181 = arith.constant 0 : i32
    %dma_start3A_182 = arith.constant 0 : i32
    %dma_start3A_183 = tpu.memref_slice %arg3[%arg1, %dma_start3A_181, %dma_start3A_182] : memref<16x84x128xi32, #tpu.memory_space<hbm>> -> memref<1x84x128xi32, #tpu.memory_space<hbm>>
    %dma_start3A_184 = tpu.memref_squeeze %dma_start3A_183 : memref<1x84x128xi32, #tpu.memory_space<hbm>> -> memref<84x128xi32, #tpu.memory_space<hbm>>
    %dma_start3A_185 = arith.constant 0 : i32
    %dma_start3A_186 = tpu.memref_slice %dma_start3A_184[%dma_start3A_165, %dma_start3A_185] : memref<84x128xi32, #tpu.memory_space<hbm>> -> memref<1x128xi32, #tpu.memory_space<hbm>>
    %dma_start3A_187 = tpu.memref_squeeze %dma_start3A_186 : memref<1x128xi32, #tpu.memory_space<hbm>> -> memref<128xi32, #tpu.memory_space<hbm>>
    tpu.enqueue_dma source(%dma_start3A_187 : memref<128xi32, #tpu.memory_space<hbm>>) target(%dma_start3A_180 : memref<128xi32, #tpu.memory_space<vmem>>) target_semaphore(%dma_start3A_177 : memref<!tpu.dma_semaphore, #tpu.memory_space<semaphore_mem>>)
    %and3A_188 = arith.constant 0 : i32
    %and3A_189 = arith.constant 3 : i32
    %and3A_190 = arith.andi %and3A_188, %and3A_189 : i32
    %dma_wait3A = arith.constant 0 : i32
    %dma_wait3A_191 = arith.constant 0 : i32
    %dma_wait3A_192 = tpu.memref_slice %arg10[%and3A_190, %dma_wait3A_191] : memref<4x128xi32, #tpu.memory_space<vmem>> -> memref<1x128xi32, #tpu.memory_space<vmem>>
    %dma_wait3A_193 = tpu.memref_squeeze %dma_wait3A_192 : memref<1x128xi32, #tpu.memory_space<vmem>> -> memref<128xi32, #tpu.memory_space<vmem>>
    %dma_wait3A_194 = arith.constant 0 : i32
    %dma_wait3A_195 = arith.constant 0 : i32
    %dma_wait3A_196 = tpu.memref_slice %arg2[%arg1, %dma_wait3A_194, %dma_wait3A_195] : memref<16x84x128xi32, #tpu.memory_space<hbm>> -> memref<1x84x128xi32, #tpu.memory_space<hbm>>
    %dma_wait3A_197 = tpu.memref_squeeze %dma_wait3A_196 : memref<1x84x128xi32, #tpu.memory_space<hbm>> -> memref<84x128xi32, #tpu.memory_space<hbm>>
    %dma_wait3A_198 = arith.constant 0 : i32
    %dma_wait3A_199 = tpu.memref_slice %dma_wait3A_197[%dma_wait3A, %dma_wait3A_198] : memref<84x128xi32, #tpu.memory_space<hbm>> -> memref<1x128xi32, #tpu.memory_space<hbm>>
    %dma_wait3A_200 = tpu.memref_squeeze %dma_wait3A_199 : memref<1x128xi32, #tpu.memory_space<hbm>> -> memref<128xi32, #tpu.memory_space<hbm>>
    %dma_wait3A_201 = tpu.memref_slice %arg18[%and3A_190] : memref<4x!tpu.dma_semaphore, #tpu.memory_space<semaphore_mem>> -> memref<1x!tpu.dma_semaphore, #tpu.memory_space<semaphore_mem>>
    %dma_wait3A_202 = tpu.memref_squeeze %dma_wait3A_201 : memref<1x!tpu.dma_semaphore, #tpu.memory_space<semaphore_mem>> -> memref<!tpu.dma_semaphore, #tpu.memory_space<semaphore_mem>>
    %dma_wait3A_203 = arith.constant 0 : i32
    %dma_wait3A_204 = tpu.memref_slice %arg10[%and3A_190, %dma_wait3A_203] : memref<4x128xi32, #tpu.memory_space<vmem>> -> memref<1x128xi32, #tpu.memory_space<vmem>>
    %dma_wait3A_205 = tpu.memref_squeeze %dma_wait3A_204 : memref<1x128xi32, #tpu.memory_space<vmem>> -> memref<128xi32, #tpu.memory_space<vmem>>
    %dma_wait3A_206 = arith.constant 0 : i32
    %dma_wait3A_207 = arith.constant 0 : i32
    %dma_wait3A_208 = tpu.memref_slice %arg2[%arg1, %dma_wait3A_206, %dma_wait3A_207] : memref<16x84x128xi32, #tpu.memory_space<hbm>> -> memref<1x84x128xi32, #tpu.memory_space<hbm>>
    %dma_wait3A_209 = tpu.memref_squeeze %dma_wait3A_208 : memref<1x84x128xi32, #tpu.memory_space<hbm>> -> memref<84x128xi32, #tpu.memory_space<hbm>>
    %dma_wait3A_210 = arith.constant 0 : i32
    %dma_wait3A_211 = tpu.memref_slice %dma_wait3A_209[%dma_wait3A, %dma_wait3A_210] : memref<84x128xi32, #tpu.memory_space<hbm>> -> memref<1x128xi32, #tpu.memory_space<hbm>>
    %dma_wait3A_212 = tpu.memref_squeeze %dma_wait3A_211 : memref<1x128xi32, #tpu.memory_space<hbm>> -> memref<128xi32, #tpu.memory_space<hbm>>
    tpu.wait_dma2 semaphore(%dma_wait3A_202 : memref<!tpu.dma_semaphore, #tpu.memory_space<semaphore_mem>>) src(%dma_wait3A_212 : memref<128xi32, #tpu.memory_space<hbm>>) dst(%dma_wait3A_205 : memref<128xi32, #tpu.memory_space<vmem>>)
    %dma_wait3A_213 = arith.constant 0 : i32
    %dma_wait3A_214 = arith.constant 0 : i32
    %dma_wait3A_215 = tpu.memref_slice %arg11[%and3A_190, %dma_wait3A_214] : memref<4x128xi32, #tpu.memory_space<vmem>> -> memref<1x128xi32, #tpu.memory_space<vmem>>
    %dma_wait3A_216 = tpu.memref_squeeze %dma_wait3A_215 : memref<1x128xi32, #tpu.memory_space<vmem>> -> memref<128xi32, #tpu.memory_space<vmem>>
    %dma_wait3A_217 = arith.constant 0 : i32
    %dma_wait3A_218 = arith.constant 0 : i32
    %dma_wait3A_219 = tpu.memref_slice %arg3[%arg1, %dma_wait3A_217, %dma_wait3A_218] : memref<16x84x128xi32, #tpu.memory_space<hbm>> -> memref<1x84x128xi32, #tpu.memory_space<hbm>>
    %dma_wait3A_220 = tpu.memref_squeeze %dma_wait3A_219 : memref<1x84x128xi32, #tpu.memory_space<hbm>> -> memref<84x128xi32, #tpu.memory_space<hbm>>
    %dma_wait3A_221 = arith.constant 0 : i32
    %dma_wait3A_222 = tpu.memref_slice %dma_wait3A_220[%dma_wait3A_213, %dma_wait3A_221] : memref<84x128xi32, #tpu.memory_space<hbm>> -> memref<1x128xi32, #tpu.memory_space<hbm>>
    %dma_wait3A_223 = tpu.memref_squeeze %dma_wait3A_222 : memref<1x128xi32, #tpu.memory_space<hbm>> -> memref<128xi32, #tpu.memory_space<hbm>>
    %dma_wait3A_224 = tpu.memref_slice %arg18[%and3A_190] : memref<4x!tpu.dma_semaphore, #tpu.memory_space<semaphore_mem>> -> memref<1x!tpu.dma_semaphore, #tpu.memory_space<semaphore_mem>>
    %dma_wait3A_225 = tpu.memref_squeeze %dma_wait3A_224 : memref<1x!tpu.dma_semaphore, #tpu.memory_space<semaphore_mem>> -> memref<!tpu.dma_semaphore, #tpu.memory_space<semaphore_mem>>
    %dma_wait3A_226 = arith.constant 0 : i32
    %dma_wait3A_227 = tpu.memref_slice %arg11[%and3A_190, %dma_wait3A_226] : memref<4x128xi32, #tpu.memory_space<vmem>> -> memref<1x128xi32, #tpu.memory_space<vmem>>
    %dma_wait3A_228 = tpu.memref_squeeze %dma_wait3A_227 : memref<1x128xi32, #tpu.memory_space<vmem>> -> memref<128xi32, #tpu.memory_space<vmem>>
    %dma_wait3A_229 = arith.constant 0 : i32
    %dma_wait3A_230 = arith.constant 0 : i32
    %dma_wait3A_231 = tpu.memref_slice %arg3[%arg1, %dma_wait3A_229, %dma_wait3A_230] : memref<16x84x128xi32, #tpu.memory_space<hbm>> -> memref<1x84x128xi32, #tpu.memory_space<hbm>>
    %dma_wait3A_232 = tpu.memref_squeeze %dma_wait3A_231 : memref<1x84x128xi32, #tpu.memory_space<hbm>> -> memref<84x128xi32, #tpu.memory_space<hbm>>
    %dma_wait3A_233 = arith.constant 0 : i32
    %dma_wait3A_234 = tpu.memref_slice %dma_wait3A_232[%dma_wait3A_213, %dma_wait3A_233] : memref<84x128xi32, #tpu.memory_space<hbm>> -> memref<1x128xi32, #tpu.memory_space<hbm>>
    %dma_wait3A_235 = tpu.memref_squeeze %dma_wait3A_234 : memref<1x128xi32, #tpu.memory_space<hbm>> -> memref<128xi32, #tpu.memory_space<hbm>>
    tpu.wait_dma2 semaphore(%dma_wait3A_225 : memref<!tpu.dma_semaphore, #tpu.memory_space<semaphore_mem>>) src(%dma_wait3A_235 : memref<128xi32, #tpu.memory_space<hbm>>) dst(%dma_wait3A_228 : memref<128xi32, #tpu.memory_space<vmem>>)
    %and3A_236 = arith.constant 0 : i32
    %and3A_237 = arith.constant 3 : i32
    %and3A_238 = arith.andi %and3A_236, %and3A_237 : i32
    %eq3A = arith.constant 0 : i32
    %eq3A_239 = arith.cmpi eq, %arg0, %eq3A : i32
    %convert_element_type3A = arith.extui %eq3A_239 : i1 to i32
    %cond3A = arith.constant 0 : i32
    %cond3A_240 = arith.constant 0 : i32
    %cond3A_241 = arith.cmpi ne, %convert_element_type3A, %cond3A_240 : i32
    scf.if %cond3A_241 {
      %dma_start3A_315 = arith.constant 0 : i32
      %dma_start3A_316 = arith.constant 0 : i32
      %dma_start3A_317 = tpu.memref_slice %arg15[%cond3A, %dma_start3A_315, %dma_start3A_316] : memref<2x128x128xf32, #tpu.memory_space<vmem>> -> memref<1x128x128xf32, #tpu.memory_space<vmem>>
      %dma_start3A_318 = tpu.memref_squeeze %dma_start3A_317 : memref<1x128x128xf32, #tpu.memory_space<vmem>> -> memref<128x128xf32, #tpu.memory_space<vmem>>
      %dma_start3A_319 = arith.constant 0 : i32
      %dma_start3A_320 = tpu.memref_slice %arg10[%and3A_238, %dma_start3A_319] : memref<4x128xi32, #tpu.memory_space<vmem>> -> memref<1x128xi32, #tpu.memory_space<vmem>>
      %dma_start3A_321 = tpu.memref_squeeze %dma_start3A_320 : memref<1x128xi32, #tpu.memory_space<vmem>> -> memref<128xi32, #tpu.memory_space<vmem>>
      %dma_start3A_322 = arith.constant 0 : i32
      %dma_start3A_323 = arith.constant 0 : i32
      %dma_start3A_324 = tpu.memref_slice %arg6[%dma_start3A_322, %dma_start3A_323] : memref<10240x128xf32, #tpu.memory_space<hbm>> -> memref<10240x128xf32, #tpu.memory_space<hbm>>
      %dma_start3A_325 = tpu.memref_slice %arg19[%cond3A] : memref<2x!tpu.dma_semaphore, #tpu.memory_space<semaphore_mem>> -> memref<1x!tpu.dma_semaphore, #tpu.memory_space<semaphore_mem>>
      %dma_start3A_326 = tpu.memref_squeeze %dma_start3A_325 : memref<1x!tpu.dma_semaphore, #tpu.memory_space<semaphore_mem>> -> memref<!tpu.dma_semaphore, #tpu.memory_space<semaphore_mem>>
      tpu.enqueue_indirect_dma source(%dma_start3A_324 : memref<10240x128xf32, #tpu.memory_space<hbm>>) target(%dma_start3A_318 : memref<128x128xf32, #tpu.memory_space<vmem>>) offsets(%dma_start3A_321 : memref<128xi32, #tpu.memory_space<vmem>>) semaphore(%dma_start3A_326 : memref<!tpu.dma_semaphore, #tpu.memory_space<semaphore_mem>>)
    } else {
    }
    %eq3A_242 = arith.constant 1 : i32
    %eq3A_243 = arith.cmpi eq, %arg0, %eq3A_242 : i32
    %convert_element_type3A_244 = arith.extui %eq3A_243 : i1 to i32
    %cond3A_245 = arith.constant 0 : i32
    %cond3A_246 = arith.constant 0 : i32
    %cond3A_247 = arith.cmpi ne, %convert_element_type3A_244, %cond3A_246 : i32
    scf.if %cond3A_247 {
      %dma_start3A_315 = arith.constant 0 : i32
      %dma_start3A_316 = arith.constant 0 : i32
      %dma_start3A_317 = tpu.memref_slice %arg15[%cond3A_245, %dma_start3A_315, %dma_start3A_316] : memref<2x128x128xf32, #tpu.memory_space<vmem>> -> memref<1x128x128xf32, #tpu.memory_space<vmem>>
      %dma_start3A_318 = tpu.memref_squeeze %dma_start3A_317 : memref<1x128x128xf32, #tpu.memory_space<vmem>> -> memref<128x128xf32, #tpu.memory_space<vmem>>
      %dma_start3A_319 = arith.constant 0 : i32
      %dma_start3A_320 = tpu.memref_slice %arg10[%and3A_238, %dma_start3A_319] : memref<4x128xi32, #tpu.memory_space<vmem>> -> memref<1x128xi32, #tpu.memory_space<vmem>>
      %dma_start3A_321 = tpu.memref_squeeze %dma_start3A_320 : memref<1x128xi32, #tpu.memory_space<vmem>> -> memref<128xi32, #tpu.memory_space<vmem>>
      %dma_start3A_322 = arith.constant 0 : i32
      %dma_start3A_323 = arith.constant 0 : i32
      %dma_start3A_324 = tpu.memref_slice %arg7[%dma_start3A_322, %dma_start3A_323] : memref<10240x128xf32, #tpu.memory_space<hbm>> -> memref<10240x128xf32, #tpu.memory_space<hbm>>
      %dma_start3A_325 = tpu.memref_slice %arg19[%cond3A_245] : memref<2x!tpu.dma_semaphore, #tpu.memory_space<semaphore_mem>> -> memref<1x!tpu.dma_semaphore, #tpu.memory_space<semaphore_mem>>
      %dma_start3A_326 = tpu.memref_squeeze %dma_start3A_325 : memref<1x!tpu.dma_semaphore, #tpu.memory_space<semaphore_mem>> -> memref<!tpu.dma_semaphore, #tpu.memory_space<semaphore_mem>>
      tpu.enqueue_indirect_dma source(%dma_start3A_324 : memref<10240x128xf32, #tpu.memory_space<hbm>>) target(%dma_start3A_318 : memref<128x128xf32, #tpu.memory_space<vmem>>) offsets(%dma_start3A_321 : memref<128xi32, #tpu.memory_space<vmem>>) semaphore(%dma_start3A_326 : memref<!tpu.dma_semaphore, #tpu.memory_space<semaphore_mem>>)
    } else {
    }
    %dma_start3A_248 = arith.constant 0 : i32
    %dma_start3A_249 = arith.constant 0 : i32
    %dma_start3A_250 = arith.constant 0 : i32
    %dma_start3A_251 = tpu.memref_slice %arg12[%dma_start3A_248, %dma_start3A_250] : memref<2x128xf32, #tpu.memory_space<vmem>> -> memref<1x128xf32, #tpu.memory_space<vmem>>
    %dma_start3A_252 = tpu.memref_squeeze %dma_start3A_251 : memref<1x128xf32, #tpu.memory_space<vmem>> -> memref<128xf32, #tpu.memory_space<vmem>>
    %dma_start3A_253 = arith.constant 0 : i32
    %dma_start3A_254 = tpu.memref_slice %arg10[%and3A_238, %dma_start3A_253] : memref<4x128xi32, #tpu.memory_space<vmem>> -> memref<1x128xi32, #tpu.memory_space<vmem>>
    %dma_start3A_255 = tpu.memref_squeeze %dma_start3A_254 : memref<1x128xi32, #tpu.memory_space<vmem>> -> memref<128xi32, #tpu.memory_space<vmem>>
    %dma_start3A_256 = arith.constant 0 : i32
    %dma_start3A_257 = tpu.memref_slice %arg4[%dma_start3A_256] : memref<10240xf32, #tpu.memory_space<hbm>> -> memref<10240xf32, #tpu.memory_space<hbm>>
    %dma_start3A_258 = tpu.memref_slice %arg19[%dma_start3A_249] : memref<2x!tpu.dma_semaphore, #tpu.memory_space<semaphore_mem>> -> memref<1x!tpu.dma_semaphore, #tpu.memory_space<semaphore_mem>>
    %dma_start3A_259 = tpu.memref_squeeze %dma_start3A_258 : memref<1x!tpu.dma_semaphore, #tpu.memory_space<semaphore_mem>> -> memref<!tpu.dma_semaphore, #tpu.memory_space<semaphore_mem>>
    tpu.enqueue_indirect_dma source(%dma_start3A_257 : memref<10240xf32, #tpu.memory_space<hbm>>) target(%dma_start3A_252 : memref<128xf32, #tpu.memory_space<vmem>>) offsets(%dma_start3A_255 : memref<128xi32, #tpu.memory_space<vmem>>) semaphore(%dma_start3A_259 : memref<!tpu.dma_semaphore, #tpu.memory_space<semaphore_mem>>)
    %dma_start3A_260 = arith.constant 0 : i32
    %dma_start3A_261 = arith.constant 0 : i32
    %dma_start3A_262 = arith.constant 0 : i32
    %dma_start3A_263 = tpu.memref_slice %arg13[%dma_start3A_260, %dma_start3A_262] : memref<2x128xf32, #tpu.memory_space<vmem>> -> memref<1x128xf32, #tpu.memory_space<vmem>>
    %dma_start3A_264 = tpu.memref_squeeze %dma_start3A_263 : memref<1x128xf32, #tpu.memory_space<vmem>> -> memref<128xf32, #tpu.memory_space<vmem>>
    %dma_start3A_265 = arith.constant 0 : i32
    %dma_start3A_266 = tpu.memref_slice %arg11[%and3A_238, %dma_start3A_265] : memref<4x128xi32, #tpu.memory_space<vmem>> -> memref<1x128xi32, #tpu.memory_space<vmem>>
    %dma_start3A_267 = tpu.memref_squeeze %dma_start3A_266 : memref<1x128xi32, #tpu.memory_space<vmem>> -> memref<128xi32, #tpu.memory_space<vmem>>
    %dma_start3A_268 = arith.constant 0 : i32
    %dma_start3A_269 = tpu.memref_slice %arg5[%dma_start3A_268] : memref<10240xf32, #tpu.memory_space<hbm>> -> memref<10240xf32, #tpu.memory_space<hbm>>
    %dma_start3A_270 = tpu.memref_slice %arg19[%dma_start3A_261] : memref<2x!tpu.dma_semaphore, #tpu.memory_space<semaphore_mem>> -> memref<1x!tpu.dma_semaphore, #tpu.memory_space<semaphore_mem>>
    %dma_start3A_271 = tpu.memref_squeeze %dma_start3A_270 : memref<1x!tpu.dma_semaphore, #tpu.memory_space<semaphore_mem>> -> memref<!tpu.dma_semaphore, #tpu.memory_space<semaphore_mem>>
    tpu.enqueue_indirect_dma source(%dma_start3A_269 : memref<10240xf32, #tpu.memory_space<hbm>>) target(%dma_start3A_264 : memref<128xf32, #tpu.memory_space<vmem>>) offsets(%dma_start3A_267 : memref<128xi32, #tpu.memory_space<vmem>>) semaphore(%dma_start3A_271 : memref<!tpu.dma_semaphore, #tpu.memory_space<semaphore_mem>>)
    %scan3A_272 = arith.constant 0 : i32
    %scan3A_273 = arith.constant 0 : i32
    %scan3A_274 = arith.constant 84 : i32
    %scan3A_275 = arith.addi %scan3A_273, %scan3A_274 : i32
    %scan3A_276 = arith.constant 1 : i32
    scf.for %scan3A_315 = %scan3A_273 to %scan3A_275 step %scan3A_276  : i32 {
      %and3A_316 = arith.constant 1 : i32
      %and3A_317 = arith.andi %scan3A_315, %and3A_316 : i32
      %sub3A = arith.constant 1 : i32
      %sub3A_318 = arith.subi %sub3A, %and3A_317 : i32
      %and3A_319 = arith.constant 3 : i32
      %and3A_320 = arith.andi %scan3A_315, %and3A_319 : i32
      %dma_wait3A_321 = arith.constant 0 : i32
      %dma_wait3A_322 = arith.constant 0 : i32
      %dma_wait3A_323 = tpu.memref_slice %arg15[%and3A_317, %dma_wait3A_321, %dma_wait3A_322] : memref<2x128x128xf32, #tpu.memory_space<vmem>> -> memref<1x128x128xf32, #tpu.memory_space<vmem>>
      %dma_wait3A_324 = tpu.memref_squeeze %dma_wait3A_323 : memref<1x128x128xf32, #tpu.memory_space<vmem>> -> memref<128x128xf32, #tpu.memory_space<vmem>>
      %dma_wait3A_325 = arith.constant 0 : i32
      %dma_wait3A_326 = tpu.memref_slice %arg10[%and3A_320, %dma_wait3A_325] : memref<4x128xi32, #tpu.memory_space<vmem>> -> memref<1x128xi32, #tpu.memory_space<vmem>>
      %dma_wait3A_327 = tpu.memref_squeeze %dma_wait3A_326 : memref<1x128xi32, #tpu.memory_space<vmem>> -> memref<128xi32, #tpu.memory_space<vmem>>
      %dma_wait3A_328 = arith.constant 0 : i32
      %dma_wait3A_329 = arith.constant 0 : i32
      %dma_wait3A_330 = tpu.memref_slice %arg6[%dma_wait3A_328, %dma_wait3A_329] : memref<10240x128xf32, #tpu.memory_space<hbm>> -> memref<10240x128xf32, #tpu.memory_space<hbm>>
      %dma_wait3A_331 = tpu.memref_slice %arg19[%and3A_317] : memref<2x!tpu.dma_semaphore, #tpu.memory_space<semaphore_mem>> -> memref<1x!tpu.dma_semaphore, #tpu.memory_space<semaphore_mem>>
      %dma_wait3A_332 = tpu.memref_squeeze %dma_wait3A_331 : memref<1x!tpu.dma_semaphore, #tpu.memory_space<semaphore_mem>> -> memref<!tpu.dma_semaphore, #tpu.memory_space<semaphore_mem>>
      tpu.wait_indirect_dma semaphore(%dma_wait3A_332 : memref<!tpu.dma_semaphore, #tpu.memory_space<semaphore_mem>>) src(%dma_wait3A_330 : memref<10240x128xf32, #tpu.memory_space<hbm>>) dst(%dma_wait3A_324 : memref<128x128xf32, #tpu.memory_space<vmem>>)
      %dma_wait3A_333 = arith.constant 0 : i32
      %dma_wait3A_334 = tpu.memref_slice %arg12[%and3A_317, %dma_wait3A_333] : memref<2x128xf32, #tpu.memory_space<vmem>> -> memref<1x128xf32, #tpu.memory_space<vmem>>
      %dma_wait3A_335 = tpu.memref_squeeze %dma_wait3A_334 : memref<1x128xf32, #tpu.memory_space<vmem>> -> memref<128xf32, #tpu.memory_space<vmem>>
      %dma_wait3A_336 = arith.constant 0 : i32
      %dma_wait3A_337 = tpu.memref_slice %arg10[%and3A_320, %dma_wait3A_336] : memref<4x128xi32, #tpu.memory_space<vmem>> -> memref<1x128xi32, #tpu.memory_space<vmem>>
      %dma_wait3A_338 = tpu.memref_squeeze %dma_wait3A_337 : memref<1x128xi32, #tpu.memory_space<vmem>> -> memref<128xi32, #tpu.memory_space<vmem>>
      %dma_wait3A_339 = arith.constant 0 : i32
      %dma_wait3A_340 = tpu.memref_slice %arg4[%dma_wait3A_339] : memref<10240xf32, #tpu.memory_space<hbm>> -> memref<10240xf32, #tpu.memory_space<hbm>>
      %dma_wait3A_341 = tpu.memref_slice %arg19[%and3A_317] : memref<2x!tpu.dma_semaphore, #tpu.memory_space<semaphore_mem>> -> memref<1x!tpu.dma_semaphore, #tpu.memory_space<semaphore_mem>>
      %dma_wait3A_342 = tpu.memref_squeeze %dma_wait3A_341 : memref<1x!tpu.dma_semaphore, #tpu.memory_space<semaphore_mem>> -> memref<!tpu.dma_semaphore, #tpu.memory_space<semaphore_mem>>
      tpu.wait_indirect_dma semaphore(%dma_wait3A_342 : memref<!tpu.dma_semaphore, #tpu.memory_space<semaphore_mem>>) src(%dma_wait3A_340 : memref<10240xf32, #tpu.memory_space<hbm>>) dst(%dma_wait3A_335 : memref<128xf32, #tpu.memory_space<vmem>>)
      %dma_wait3A_343 = arith.constant 0 : i32
      %dma_wait3A_344 = tpu.memref_slice %arg13[%and3A_317, %dma_wait3A_343] : memref<2x128xf32, #tpu.memory_space<vmem>> -> memref<1x128xf32, #tpu.memory_space<vmem>>
      %dma_wait3A_345 = tpu.memref_squeeze %dma_wait3A_344 : memref<1x128xf32, #tpu.memory_space<vmem>> -> memref<128xf32, #tpu.memory_space<vmem>>
      %dma_wait3A_346 = arith.constant 0 : i32
      %dma_wait3A_347 = tpu.memref_slice %arg11[%and3A_320, %dma_wait3A_346] : memref<4x128xi32, #tpu.memory_space<vmem>> -> memref<1x128xi32, #tpu.memory_space<vmem>>
      %dma_wait3A_348 = tpu.memref_squeeze %dma_wait3A_347 : memref<1x128xi32, #tpu.memory_space<vmem>> -> memref<128xi32, #tpu.memory_space<vmem>>
      %dma_wait3A_349 = arith.constant 0 : i32
      %dma_wait3A_350 = tpu.memref_slice %arg5[%dma_wait3A_349] : memref<10240xf32, #tpu.memory_space<hbm>> -> memref<10240xf32, #tpu.memory_space<hbm>>
      %dma_wait3A_351 = tpu.memref_slice %arg19[%and3A_317] : memref<2x!tpu.dma_semaphore, #tpu.memory_space<semaphore_mem>> -> memref<1x!tpu.dma_semaphore, #tpu.memory_space<semaphore_mem>>
      %dma_wait3A_352 = tpu.memref_squeeze %dma_wait3A_351 : memref<1x!tpu.dma_semaphore, #tpu.memory_space<semaphore_mem>> -> memref<!tpu.dma_semaphore, #tpu.memory_space<semaphore_mem>>
      tpu.wait_indirect_dma semaphore(%dma_wait3A_352 : memref<!tpu.dma_semaphore, #tpu.memory_space<semaphore_mem>>) src(%dma_wait3A_350 : memref<10240xf32, #tpu.memory_space<hbm>>) dst(%dma_wait3A_345 : memref<128xf32, #tpu.memory_space<vmem>>)
      %ge3A = arith.constant 1 : i32
      %ge3A_353 = arith.cmpi sge, %scan3A_315, %ge3A : i32
      %convert_element_type3A_354 = arith.extui %ge3A_353 : i1 to i32
      %cond3A_355 = arith.constant 0 : i32
      %cond3A_356 = arith.cmpi ne, %convert_element_type3A_354, %cond3A_355 : i32
      scf.if %cond3A_356 {
        %sub3A_634 = arith.constant 1 : i32
        %sub3A_635 = arith.subi %scan3A_315, %sub3A_634 : i32
        %and3A_636 = arith.constant 3 : i32
        %and3A_637 = arith.andi %sub3A_635, %and3A_636 : i32
        %dma_wait3A_638 = arith.constant 0 : i32
        %dma_wait3A_639 = arith.constant 0 : i32
        %dma_wait3A_640 = tpu.memref_slice %arg15[%sub3A_318, %dma_wait3A_638, %dma_wait3A_639] : memref<2x128x128xf32, #tpu.memory_space<vmem>> -> memref<1x128x128xf32, #tpu.memory_space<vmem>>
        %dma_wait3A_641 = tpu.memref_squeeze %dma_wait3A_640 : memref<1x128x128xf32, #tpu.memory_space<vmem>> -> memref<128x128xf32, #tpu.memory_space<vmem>>
        %dma_wait3A_642 = arith.constant 0 : i32
        %dma_wait3A_643 = tpu.memref_slice %arg11[%and3A_637, %dma_wait3A_642] : memref<4x128xi32, #tpu.memory_space<vmem>> -> memref<1x128xi32, #tpu.memory_space<vmem>>
        %dma_wait3A_644 = tpu.memref_squeeze %dma_wait3A_643 : memref<1x128xi32, #tpu.memory_space<vmem>> -> memref<128xi32, #tpu.memory_space<vmem>>
        %dma_wait3A_645 = arith.constant 0 : i32
        %dma_wait3A_646 = arith.constant 0 : i32
        %dma_wait3A_647 = tpu.memref_slice %arg16[%dma_wait3A_645, %dma_wait3A_646] : memref<10240x128xf32, #tpu.memory_space<vmem_shared>> -> memref<10240x128xf32, #tpu.memory_space<vmem_shared>>
        %dma_wait3A_648 = tpu.memref_slice %arg20[%sub3A_318] : memref<2x!tpu.dma_semaphore, #tpu.memory_space<semaphore_mem>> -> memref<1x!tpu.dma_semaphore, #tpu.memory_space<semaphore_mem>>
        %dma_wait3A_649 = tpu.memref_squeeze %dma_wait3A_648 : memref<1x!tpu.dma_semaphore, #tpu.memory_space<semaphore_mem>> -> memref<!tpu.dma_semaphore, #tpu.memory_space<semaphore_mem>>
        tpu.wait_indirect_dma semaphore(%dma_wait3A_649 : memref<!tpu.dma_semaphore, #tpu.memory_space<semaphore_mem>>) src(%dma_wait3A_641 : memref<128x128xf32, #tpu.memory_space<vmem>>) dst(%dma_wait3A_647 : memref<10240x128xf32, #tpu.memory_space<vmem_shared>>)
        %dma_wait3A_650 = arith.constant 0 : i32
        %dma_wait3A_651 = tpu.memref_slice %arg14[%sub3A_318, %dma_wait3A_650] : memref<2x128xf32, #tpu.memory_space<vmem>> -> memref<1x128xf32, #tpu.memory_space<vmem>>
        %dma_wait3A_652 = tpu.memref_squeeze %dma_wait3A_651 : memref<1x128xf32, #tpu.memory_space<vmem>> -> memref<128xf32, #tpu.memory_space<vmem>>
        %dma_wait3A_653 = arith.constant 0 : i32
        %dma_wait3A_654 = tpu.memref_slice %arg11[%and3A_637, %dma_wait3A_653] : memref<4x128xi32, #tpu.memory_space<vmem>> -> memref<1x128xi32, #tpu.memory_space<vmem>>
        %dma_wait3A_655 = tpu.memref_squeeze %dma_wait3A_654 : memref<1x128xi32, #tpu.memory_space<vmem>> -> memref<128xi32, #tpu.memory_space<vmem>>
        %dma_wait3A_656 = arith.constant 0 : i32
        %dma_wait3A_657 = tpu.memref_slice %arg17[%dma_wait3A_656] : memref<10240xf32, #tpu.memory_space<vmem_shared>> -> memref<10240xf32, #tpu.memory_space<vmem_shared>>
        %dma_wait3A_658 = tpu.memref_slice %arg20[%sub3A_318] : memref<2x!tpu.dma_semaphore, #tpu.memory_space<semaphore_mem>> -> memref<1x!tpu.dma_semaphore, #tpu.memory_space<semaphore_mem>>
        %dma_wait3A_659 = tpu.memref_squeeze %dma_wait3A_658 : memref<1x!tpu.dma_semaphore, #tpu.memory_space<semaphore_mem>> -> memref<!tpu.dma_semaphore, #tpu.memory_space<semaphore_mem>>
        tpu.wait_indirect_dma semaphore(%dma_wait3A_659 : memref<!tpu.dma_semaphore, #tpu.memory_space<semaphore_mem>>) src(%dma_wait3A_652 : memref<128xf32, #tpu.memory_space<vmem>>) dst(%dma_wait3A_657 : memref<10240xf32, #tpu.memory_space<vmem_shared>>)
      } else {
      }
      %add3A = arith.constant 1 : i32
      %add3A_357 = arith.addi %scan3A_315, %add3A : i32
      %lt3A = arith.constant 84 : i32
      %lt3A_358 = arith.cmpi slt, %add3A_357, %lt3A : i32
      %convert_element_type3A_359 = arith.extui %lt3A_358 : i1 to i32
      %cond3A_360 = arith.constant 0 : i32
      %cond3A_361 = arith.cmpi ne, %convert_element_type3A_359, %cond3A_360 : i32
      scf.if %cond3A_361 {
        %add3A_634 = arith.constant 1 : i32
        %add3A_635 = arith.addi %scan3A_315, %add3A_634 : i32
        %and3A_636 = arith.constant 3 : i32
        %and3A_637 = arith.andi %add3A_635, %and3A_636 : i32
        %dma_wait3A_638 = arith.constant 0 : i32
        %dma_wait3A_639 = tpu.memref_slice %arg10[%and3A_637, %dma_wait3A_638] : memref<4x128xi32, #tpu.memory_space<vmem>> -> memref<1x128xi32, #tpu.memory_space<vmem>>
        %dma_wait3A_640 = tpu.memref_squeeze %dma_wait3A_639 : memref<1x128xi32, #tpu.memory_space<vmem>> -> memref<128xi32, #tpu.memory_space<vmem>>
        %dma_wait3A_641 = arith.constant 0 : i32
        %dma_wait3A_642 = arith.constant 0 : i32
        %dma_wait3A_643 = tpu.memref_slice %arg2[%arg1, %dma_wait3A_641, %dma_wait3A_642] : memref<16x84x128xi32, #tpu.memory_space<hbm>> -> memref<1x84x128xi32, #tpu.memory_space<hbm>>
        %dma_wait3A_644 = tpu.memref_squeeze %dma_wait3A_643 : memref<1x84x128xi32, #tpu.memory_space<hbm>> -> memref<84x128xi32, #tpu.memory_space<hbm>>
        %dma_wait3A_645 = arith.constant 0 : i32
        %dma_wait3A_646 = tpu.memref_slice %dma_wait3A_644[%add3A_635, %dma_wait3A_645] : memref<84x128xi32, #tpu.memory_space<hbm>> -> memref<1x128xi32, #tpu.memory_space<hbm>>
        %dma_wait3A_647 = tpu.memref_squeeze %dma_wait3A_646 : memref<1x128xi32, #tpu.memory_space<hbm>> -> memref<128xi32, #tpu.memory_space<hbm>>
        %dma_wait3A_648 = tpu.memref_slice %arg18[%and3A_637] : memref<4x!tpu.dma_semaphore, #tpu.memory_space<semaphore_mem>> -> memref<1x!tpu.dma_semaphore, #tpu.memory_space<semaphore_mem>>
        %dma_wait3A_649 = tpu.memref_squeeze %dma_wait3A_648 : memref<1x!tpu.dma_semaphore, #tpu.memory_space<semaphore_mem>> -> memref<!tpu.dma_semaphore, #tpu.memory_space<semaphore_mem>>
        %dma_wait3A_650 = arith.constant 0 : i32
        %dma_wait3A_651 = tpu.memref_slice %arg10[%and3A_637, %dma_wait3A_650] : memref<4x128xi32, #tpu.memory_space<vmem>> -> memref<1x128xi32, #tpu.memory_space<vmem>>
        %dma_wait3A_652 = tpu.memref_squeeze %dma_wait3A_651 : memref<1x128xi32, #tpu.memory_space<vmem>> -> memref<128xi32, #tpu.memory_space<vmem>>
        %dma_wait3A_653 = arith.constant 0 : i32
        %dma_wait3A_654 = arith.constant 0 : i32
        %dma_wait3A_655 = tpu.memref_slice %arg2[%arg1, %dma_wait3A_653, %dma_wait3A_654] : memref<16x84x128xi32, #tpu.memory_space<hbm>> -> memref<1x84x128xi32, #tpu.memory_space<hbm>>
        %dma_wait3A_656 = tpu.memref_squeeze %dma_wait3A_655 : memref<1x84x128xi32, #tpu.memory_space<hbm>> -> memref<84x128xi32, #tpu.memory_space<hbm>>
        %dma_wait3A_657 = arith.constant 0 : i32
        %dma_wait3A_658 = tpu.memref_slice %dma_wait3A_656[%add3A_635, %dma_wait3A_657] : memref<84x128xi32, #tpu.memory_space<hbm>> -> memref<1x128xi32, #tpu.memory_space<hbm>>
        %dma_wait3A_659 = tpu.memref_squeeze %dma_wait3A_658 : memref<1x128xi32, #tpu.memory_space<hbm>> -> memref<128xi32, #tpu.memory_space<hbm>>
        tpu.wait_dma2 semaphore(%dma_wait3A_649 : memref<!tpu.dma_semaphore, #tpu.memory_space<semaphore_mem>>) src(%dma_wait3A_659 : memref<128xi32, #tpu.memory_space<hbm>>) dst(%dma_wait3A_652 : memref<128xi32, #tpu.memory_space<vmem>>)
        %dma_wait3A_660 = arith.constant 0 : i32
        %dma_wait3A_661 = tpu.memref_slice %arg11[%and3A_637, %dma_wait3A_660] : memref<4x128xi32, #tpu.memory_space<vmem>> -> memref<1x128xi32, #tpu.memory_space<vmem>>
        %dma_wait3A_662 = tpu.memref_squeeze %dma_wait3A_661 : memref<1x128xi32, #tpu.memory_space<vmem>> -> memref<128xi32, #tpu.memory_space<vmem>>
        %dma_wait3A_663 = arith.constant 0 : i32
        %dma_wait3A_664 = arith.constant 0 : i32
        %dma_wait3A_665 = tpu.memref_slice %arg3[%arg1, %dma_wait3A_663, %dma_wait3A_664] : memref<16x84x128xi32, #tpu.memory_space<hbm>> -> memref<1x84x128xi32, #tpu.memory_space<hbm>>
        %dma_wait3A_666 = tpu.memref_squeeze %dma_wait3A_665 : memref<1x84x128xi32, #tpu.memory_space<hbm>> -> memref<84x128xi32, #tpu.memory_space<hbm>>
        %dma_wait3A_667 = arith.constant 0 : i32
        %dma_wait3A_668 = tpu.memref_slice %dma_wait3A_666[%add3A_635, %dma_wait3A_667] : memref<84x128xi32, #tpu.memory_space<hbm>> -> memref<1x128xi32, #tpu.memory_space<hbm>>
        %dma_wait3A_669 = tpu.memref_squeeze %dma_wait3A_668 : memref<1x128xi32, #tpu.memory_space<hbm>> -> memref<128xi32, #tpu.memory_space<hbm>>
        %dma_wait3A_670 = tpu.memref_slice %arg18[%and3A_637] : memref<4x!tpu.dma_semaphore, #tpu.memory_space<semaphore_mem>> -> memref<1x!tpu.dma_semaphore, #tpu.memory_space<semaphore_mem>>
        %dma_wait3A_671 = tpu.memref_squeeze %dma_wait3A_670 : memref<1x!tpu.dma_semaphore, #tpu.memory_space<semaphore_mem>> -> memref<!tpu.dma_semaphore, #tpu.memory_space<semaphore_mem>>
        %dma_wait3A_672 = arith.constant 0 : i32
        %dma_wait3A_673 = tpu.memref_slice %arg11[%and3A_637, %dma_wait3A_672] : memref<4x128xi32, #tpu.memory_space<vmem>> -> memref<1x128xi32, #tpu.memory_space<vmem>>
        %dma_wait3A_674 = tpu.memref_squeeze %dma_wait3A_673 : memref<1x128xi32, #tpu.memory_space<vmem>> -> memref<128xi32, #tpu.memory_space<vmem>>
        %dma_wait3A_675 = arith.constant 0 : i32
        %dma_wait3A_676 = arith.constant 0 : i32
        %dma_wait3A_677 = tpu.memref_slice %arg3[%arg1, %dma_wait3A_675, %dma_wait3A_676] : memref<16x84x128xi32, #tpu.memory_space<hbm>> -> memref<1x84x128xi32, #tpu.memory_space<hbm>>
        %dma_wait3A_678 = tpu.memref_squeeze %dma_wait3A_677 : memref<1x84x128xi32, #tpu.memory_space<hbm>> -> memref<84x128xi32, #tpu.memory_space<hbm>>
        %dma_wait3A_679 = arith.constant 0 : i32
        %dma_wait3A_680 = tpu.memref_slice %dma_wait3A_678[%add3A_635, %dma_wait3A_679] : memref<84x128xi32, #tpu.memory_space<hbm>> -> memref<1x128xi32, #tpu.memory_space<hbm>>
        %dma_wait3A_681 = tpu.memref_squeeze %dma_wait3A_680 : memref<1x128xi32, #tpu.memory_space<hbm>> -> memref<128xi32, #tpu.memory_space<hbm>>
        tpu.wait_dma2 semaphore(%dma_wait3A_671 : memref<!tpu.dma_semaphore, #tpu.memory_space<semaphore_mem>>) src(%dma_wait3A_681 : memref<128xi32, #tpu.memory_space<hbm>>) dst(%dma_wait3A_674 : memref<128xi32, #tpu.memory_space<vmem>>)
        %add3A_682 = arith.constant 1 : i32
        %add3A_683 = arith.addi %scan3A_315, %add3A_682 : i32
        %and3A_684 = arith.constant 3 : i32
        %and3A_685 = arith.andi %add3A_683, %and3A_684 : i32
        %eq3A_686 = arith.constant 0 : i32
        %eq3A_687 = arith.cmpi eq, %arg0, %eq3A_686 : i32
        %convert_element_type3A_688 = arith.extui %eq3A_687 : i1 to i32
        %cond3A_689 = arith.constant 0 : i32
        %cond3A_690 = arith.cmpi ne, %convert_element_type3A_688, %cond3A_689 : i32
        scf.if %cond3A_690 {
          %dma_start3A_716 = arith.constant 0 : i32
          %dma_start3A_717 = arith.constant 0 : i32
          %dma_start3A_718 = tpu.memref_slice %arg15[%sub3A_318, %dma_start3A_716, %dma_start3A_717] : memref<2x128x128xf32, #tpu.memory_space<vmem>> -> memref<1x128x128xf32, #tpu.memory_space<vmem>>
          %dma_start3A_719 = tpu.memref_squeeze %dma_start3A_718 : memref<1x128x128xf32, #tpu.memory_space<vmem>> -> memref<128x128xf32, #tpu.memory_space<vmem>>
          %dma_start3A_720 = arith.constant 0 : i32
          %dma_start3A_721 = tpu.memref_slice %arg10[%and3A_685, %dma_start3A_720] : memref<4x128xi32, #tpu.memory_space<vmem>> -> memref<1x128xi32, #tpu.memory_space<vmem>>
          %dma_start3A_722 = tpu.memref_squeeze %dma_start3A_721 : memref<1x128xi32, #tpu.memory_space<vmem>> -> memref<128xi32, #tpu.memory_space<vmem>>
          %dma_start3A_723 = arith.constant 0 : i32
          %dma_start3A_724 = arith.constant 0 : i32
          %dma_start3A_725 = tpu.memref_slice %arg6[%dma_start3A_723, %dma_start3A_724] : memref<10240x128xf32, #tpu.memory_space<hbm>> -> memref<10240x128xf32, #tpu.memory_space<hbm>>
          %dma_start3A_726 = tpu.memref_slice %arg19[%sub3A_318] : memref<2x!tpu.dma_semaphore, #tpu.memory_space<semaphore_mem>> -> memref<1x!tpu.dma_semaphore, #tpu.memory_space<semaphore_mem>>
          %dma_start3A_727 = tpu.memref_squeeze %dma_start3A_726 : memref<1x!tpu.dma_semaphore, #tpu.memory_space<semaphore_mem>> -> memref<!tpu.dma_semaphore, #tpu.memory_space<semaphore_mem>>
          tpu.enqueue_indirect_dma source(%dma_start3A_725 : memref<10240x128xf32, #tpu.memory_space<hbm>>) target(%dma_start3A_719 : memref<128x128xf32, #tpu.memory_space<vmem>>) offsets(%dma_start3A_722 : memref<128xi32, #tpu.memory_space<vmem>>) semaphore(%dma_start3A_727 : memref<!tpu.dma_semaphore, #tpu.memory_space<semaphore_mem>>)
        } else {
        }
        %eq3A_691 = arith.constant 1 : i32
        %eq3A_692 = arith.cmpi eq, %arg0, %eq3A_691 : i32
        %convert_element_type3A_693 = arith.extui %eq3A_692 : i1 to i32
        %cond3A_694 = arith.constant 0 : i32
        %cond3A_695 = arith.cmpi ne, %convert_element_type3A_693, %cond3A_694 : i32
        scf.if %cond3A_695 {
          %dma_start3A_716 = arith.constant 0 : i32
          %dma_start3A_717 = arith.constant 0 : i32
          %dma_start3A_718 = tpu.memref_slice %arg15[%sub3A_318, %dma_start3A_716, %dma_start3A_717] : memref<2x128x128xf32, #tpu.memory_space<vmem>> -> memref<1x128x128xf32, #tpu.memory_space<vmem>>
          %dma_start3A_719 = tpu.memref_squeeze %dma_start3A_718 : memref<1x128x128xf32, #tpu.memory_space<vmem>> -> memref<128x128xf32, #tpu.memory_space<vmem>>
          %dma_start3A_720 = arith.constant 0 : i32
          %dma_start3A_721 = tpu.memref_slice %arg10[%and3A_685, %dma_start3A_720] : memref<4x128xi32, #tpu.memory_space<vmem>> -> memref<1x128xi32, #tpu.memory_space<vmem>>
          %dma_start3A_722 = tpu.memref_squeeze %dma_start3A_721 : memref<1x128xi32, #tpu.memory_space<vmem>> -> memref<128xi32, #tpu.memory_space<vmem>>
          %dma_start3A_723 = arith.constant 0 : i32
          %dma_start3A_724 = arith.constant 0 : i32
          %dma_start3A_725 = tpu.memref_slice %arg7[%dma_start3A_723, %dma_start3A_724] : memref<10240x128xf32, #tpu.memory_space<hbm>> -> memref<10240x128xf32, #tpu.memory_space<hbm>>
          %dma_start3A_726 = tpu.memref_slice %arg19[%sub3A_318] : memref<2x!tpu.dma_semaphore, #tpu.memory_space<semaphore_mem>> -> memref<1x!tpu.dma_semaphore, #tpu.memory_space<semaphore_mem>>
          %dma_start3A_727 = tpu.memref_squeeze %dma_start3A_726 : memref<1x!tpu.dma_semaphore, #tpu.memory_space<semaphore_mem>> -> memref<!tpu.dma_semaphore, #tpu.memory_space<semaphore_mem>>
          tpu.enqueue_indirect_dma source(%dma_start3A_725 : memref<10240x128xf32, #tpu.memory_space<hbm>>) target(%dma_start3A_719 : memref<128x128xf32, #tpu.memory_space<vmem>>) offsets(%dma_start3A_722 : memref<128xi32, #tpu.memory_space<vmem>>) semaphore(%dma_start3A_727 : memref<!tpu.dma_semaphore, #tpu.memory_space<semaphore_mem>>)
        } else {
        }
        %dma_start3A_696 = arith.constant 0 : i32
        %dma_start3A_697 = tpu.memref_slice %arg12[%sub3A_318, %dma_start3A_696] : memref<2x128xf32, #tpu.memory_space<vmem>> -> memref<1x128xf32, #tpu.memory_space<vmem>>
        %dma_start3A_698 = tpu.memref_squeeze %dma_start3A_697 : memref<1x128xf32, #tpu.memory_space<vmem>> -> memref<128xf32, #tpu.memory_space<vmem>>
        %dma_start3A_699 = arith.constant 0 : i32
        %dma_start3A_700 = tpu.memref_slice %arg10[%and3A_685, %dma_start3A_699] : memref<4x128xi32, #tpu.memory_space<vmem>> -> memref<1x128xi32, #tpu.memory_space<vmem>>
        %dma_start3A_701 = tpu.memref_squeeze %dma_start3A_700 : memref<1x128xi32, #tpu.memory_space<vmem>> -> memref<128xi32, #tpu.memory_space<vmem>>
        %dma_start3A_702 = arith.constant 0 : i32
        %dma_start3A_703 = tpu.memref_slice %arg4[%dma_start3A_702] : memref<10240xf32, #tpu.memory_space<hbm>> -> memref<10240xf32, #tpu.memory_space<hbm>>
        %dma_start3A_704 = tpu.memref_slice %arg19[%sub3A_318] : memref<2x!tpu.dma_semaphore, #tpu.memory_space<semaphore_mem>> -> memref<1x!tpu.dma_semaphore, #tpu.memory_space<semaphore_mem>>
        %dma_start3A_705 = tpu.memref_squeeze %dma_start3A_704 : memref<1x!tpu.dma_semaphore, #tpu.memory_space<semaphore_mem>> -> memref<!tpu.dma_semaphore, #tpu.memory_space<semaphore_mem>>
        tpu.enqueue_indirect_dma source(%dma_start3A_703 : memref<10240xf32, #tpu.memory_space<hbm>>) target(%dma_start3A_698 : memref<128xf32, #tpu.memory_space<vmem>>) offsets(%dma_start3A_701 : memref<128xi32, #tpu.memory_space<vmem>>) semaphore(%dma_start3A_705 : memref<!tpu.dma_semaphore, #tpu.memory_space<semaphore_mem>>)
        %dma_start3A_706 = arith.constant 0 : i32
        %dma_start3A_707 = tpu.memref_slice %arg13[%sub3A_318, %dma_start3A_706] : memref<2x128xf32, #tpu.memory_space<vmem>> -> memref<1x128xf32, #tpu.memory_space<vmem>>
        %dma_start3A_708 = tpu.memref_squeeze %dma_start3A_707 : memref<1x128xf32, #tpu.memory_space<vmem>> -> memref<128xf32, #tpu.memory_space<vmem>>
        %dma_start3A_709 = arith.constant 0 : i32
        %dma_start3A_710 = tpu.memref_slice %arg11[%and3A_685, %dma_start3A_709] : memref<4x128xi32, #tpu.memory_space<vmem>> -> memref<1x128xi32, #tpu.memory_space<vmem>>
        %dma_start3A_711 = tpu.memref_squeeze %dma_start3A_710 : memref<1x128xi32, #tpu.memory_space<vmem>> -> memref<128xi32, #tpu.memory_space<vmem>>
        %dma_start3A_712 = arith.constant 0 : i32
        %dma_start3A_713 = tpu.memref_slice %arg5[%dma_start3A_712] : memref<10240xf32, #tpu.memory_space<hbm>> -> memref<10240xf32, #tpu.memory_space<hbm>>
        %dma_start3A_714 = tpu.memref_slice %arg19[%sub3A_318] : memref<2x!tpu.dma_semaphore, #tpu.memory_space<semaphore_mem>> -> memref<1x!tpu.dma_semaphore, #tpu.memory_space<semaphore_mem>>
        %dma_start3A_715 = tpu.memref_squeeze %dma_start3A_714 : memref<1x!tpu.dma_semaphore, #tpu.memory_space<semaphore_mem>> -> memref<!tpu.dma_semaphore, #tpu.memory_space<semaphore_mem>>
        tpu.enqueue_indirect_dma source(%dma_start3A_713 : memref<10240xf32, #tpu.memory_space<hbm>>) target(%dma_start3A_708 : memref<128xf32, #tpu.memory_space<vmem>>) offsets(%dma_start3A_711 : memref<128xi32, #tpu.memory_space<vmem>>) semaphore(%dma_start3A_715 : memref<!tpu.dma_semaphore, #tpu.memory_space<semaphore_mem>>)
      } else {
      }
      %add3A_362 = arith.constant 3 : i32
      %add3A_363 = arith.addi %scan3A_315, %add3A_362 : i32
      %lt3A_364 = arith.constant 84 : i32
      %lt3A_365 = arith.cmpi slt, %add3A_363, %lt3A_364 : i32
      %convert_element_type3A_366 = arith.extui %lt3A_365 : i1 to i32
      %cond3A_367 = arith.constant 0 : i32
      %cond3A_368 = arith.cmpi ne, %convert_element_type3A_366, %cond3A_367 : i32
      scf.if %cond3A_368 {
        %add3A_634 = arith.constant 3 : i32
        %add3A_635 = arith.addi %scan3A_315, %add3A_634 : i32
        %and3A_636 = arith.constant 3 : i32
        %and3A_637 = arith.andi %add3A_635, %and3A_636 : i32
        %dma_start3A_638 = arith.constant 0 : i32
        %dma_start3A_639 = tpu.memref_slice %arg10[%and3A_637, %dma_start3A_638] : memref<4x128xi32, #tpu.memory_space<vmem>> -> memref<1x128xi32, #tpu.memory_space<vmem>>
        %dma_start3A_640 = tpu.memref_squeeze %dma_start3A_639 : memref<1x128xi32, #tpu.memory_space<vmem>> -> memref<128xi32, #tpu.memory_space<vmem>>
        %dma_start3A_641 = arith.constant 0 : i32
        %dma_start3A_642 = arith.constant 0 : i32
        %dma_start3A_643 = tpu.memref_slice %arg2[%arg1, %dma_start3A_641, %dma_start3A_642] : memref<16x84x128xi32, #tpu.memory_space<hbm>> -> memref<1x84x128xi32, #tpu.memory_space<hbm>>
        %dma_start3A_644 = tpu.memref_squeeze %dma_start3A_643 : memref<1x84x128xi32, #tpu.memory_space<hbm>> -> memref<84x128xi32, #tpu.memory_space<hbm>>
        %dma_start3A_645 = arith.constant 0 : i32
        %dma_start3A_646 = tpu.memref_slice %dma_start3A_644[%add3A_635, %dma_start3A_645] : memref<84x128xi32, #tpu.memory_space<hbm>> -> memref<1x128xi32, #tpu.memory_space<hbm>>
        %dma_start3A_647 = tpu.memref_squeeze %dma_start3A_646 : memref<1x128xi32, #tpu.memory_space<hbm>> -> memref<128xi32, #tpu.memory_space<hbm>>
        %dma_start3A_648 = tpu.memref_slice %arg18[%and3A_637] : memref<4x!tpu.dma_semaphore, #tpu.memory_space<semaphore_mem>> -> memref<1x!tpu.dma_semaphore, #tpu.memory_space<semaphore_mem>>
        %dma_start3A_649 = tpu.memref_squeeze %dma_start3A_648 : memref<1x!tpu.dma_semaphore, #tpu.memory_space<semaphore_mem>> -> memref<!tpu.dma_semaphore, #tpu.memory_space<semaphore_mem>>
        %dma_start3A_650 = arith.constant 0 : i32
        %dma_start3A_651 = tpu.memref_slice %arg10[%and3A_637, %dma_start3A_650] : memref<4x128xi32, #tpu.memory_space<vmem>> -> memref<1x128xi32, #tpu.memory_space<vmem>>
        %dma_start3A_652 = tpu.memref_squeeze %dma_start3A_651 : memref<1x128xi32, #tpu.memory_space<vmem>> -> memref<128xi32, #tpu.memory_space<vmem>>
        %dma_start3A_653 = arith.constant 0 : i32
        %dma_start3A_654 = arith.constant 0 : i32
        %dma_start3A_655 = tpu.memref_slice %arg2[%arg1, %dma_start3A_653, %dma_start3A_654] : memref<16x84x128xi32, #tpu.memory_space<hbm>> -> memref<1x84x128xi32, #tpu.memory_space<hbm>>
        %dma_start3A_656 = tpu.memref_squeeze %dma_start3A_655 : memref<1x84x128xi32, #tpu.memory_space<hbm>> -> memref<84x128xi32, #tpu.memory_space<hbm>>
        %dma_start3A_657 = arith.constant 0 : i32
        %dma_start3A_658 = tpu.memref_slice %dma_start3A_656[%add3A_635, %dma_start3A_657] : memref<84x128xi32, #tpu.memory_space<hbm>> -> memref<1x128xi32, #tpu.memory_space<hbm>>
        %dma_start3A_659 = tpu.memref_squeeze %dma_start3A_658 : memref<1x128xi32, #tpu.memory_space<hbm>> -> memref<128xi32, #tpu.memory_space<hbm>>
        tpu.enqueue_dma source(%dma_start3A_659 : memref<128xi32, #tpu.memory_space<hbm>>) target(%dma_start3A_652 : memref<128xi32, #tpu.memory_space<vmem>>) target_semaphore(%dma_start3A_649 : memref<!tpu.dma_semaphore, #tpu.memory_space<semaphore_mem>>)
        %dma_start3A_660 = arith.constant 0 : i32
        %dma_start3A_661 = tpu.memref_slice %arg11[%and3A_637, %dma_start3A_660] : memref<4x128xi32, #tpu.memory_space<vmem>> -> memref<1x128xi32, #tpu.memory_space<vmem>>
        %dma_start3A_662 = tpu.memref_squeeze %dma_start3A_661 : memref<1x128xi32, #tpu.memory_space<vmem>> -> memref<128xi32, #tpu.memory_space<vmem>>
        %dma_start3A_663 = arith.constant 0 : i32
        %dma_start3A_664 = arith.constant 0 : i32
        %dma_start3A_665 = tpu.memref_slice %arg3[%arg1, %dma_start3A_663, %dma_start3A_664] : memref<16x84x128xi32, #tpu.memory_space<hbm>> -> memref<1x84x128xi32, #tpu.memory_space<hbm>>
        %dma_start3A_666 = tpu.memref_squeeze %dma_start3A_665 : memref<1x84x128xi32, #tpu.memory_space<hbm>> -> memref<84x128xi32, #tpu.memory_space<hbm>>
        %dma_start3A_667 = arith.constant 0 : i32
        %dma_start3A_668 = tpu.memref_slice %dma_start3A_666[%add3A_635, %dma_start3A_667] : memref<84x128xi32, #tpu.memory_space<hbm>> -> memref<1x128xi32, #tpu.memory_space<hbm>>
        %dma_start3A_669 = tpu.memref_squeeze %dma_start3A_668 : memref<1x128xi32, #tpu.memory_space<hbm>> -> memref<128xi32, #tpu.memory_space<hbm>>
        %dma_start3A_670 = tpu.memref_slice %arg18[%and3A_637] : memref<4x!tpu.dma_semaphore, #tpu.memory_space<semaphore_mem>> -> memref<1x!tpu.dma_semaphore, #tpu.memory_space<semaphore_mem>>
        %dma_start3A_671 = tpu.memref_squeeze %dma_start3A_670 : memref<1x!tpu.dma_semaphore, #tpu.memory_space<semaphore_mem>> -> memref<!tpu.dma_semaphore, #tpu.memory_space<semaphore_mem>>
        %dma_start3A_672 = arith.constant 0 : i32
        %dma_start3A_673 = tpu.memref_slice %arg11[%and3A_637, %dma_start3A_672] : memref<4x128xi32, #tpu.memory_space<vmem>> -> memref<1x128xi32, #tpu.memory_space<vmem>>
        %dma_start3A_674 = tpu.memref_squeeze %dma_start3A_673 : memref<1x128xi32, #tpu.memory_space<vmem>> -> memref<128xi32, #tpu.memory_space<vmem>>
        %dma_start3A_675 = arith.constant 0 : i32
        %dma_start3A_676 = arith.constant 0 : i32
        %dma_start3A_677 = tpu.memref_slice %arg3[%arg1, %dma_start3A_675, %dma_start3A_676] : memref<16x84x128xi32, #tpu.memory_space<hbm>> -> memref<1x84x128xi32, #tpu.memory_space<hbm>>
        %dma_start3A_678 = tpu.memref_squeeze %dma_start3A_677 : memref<1x84x128xi32, #tpu.memory_space<hbm>> -> memref<84x128xi32, #tpu.memory_space<hbm>>
        %dma_start3A_679 = arith.constant 0 : i32
        %dma_start3A_680 = tpu.memref_slice %dma_start3A_678[%add3A_635, %dma_start3A_679] : memref<84x128xi32, #tpu.memory_space<hbm>> -> memref<1x128xi32, #tpu.memory_space<hbm>>
        %dma_start3A_681 = tpu.memref_squeeze %dma_start3A_680 : memref<1x128xi32, #tpu.memory_space<hbm>> -> memref<128xi32, #tpu.memory_space<hbm>>
        tpu.enqueue_dma source(%dma_start3A_681 : memref<128xi32, #tpu.memory_space<hbm>>) target(%dma_start3A_674 : memref<128xi32, #tpu.memory_space<vmem>>) target_semaphore(%dma_start3A_671 : memref<!tpu.dma_semaphore, #tpu.memory_space<semaphore_mem>>)
      } else {
      }
      %get3A = arith.index_cast %and3A_317 : i32 to index
      %get3A_369 = arith.constant 0 : index
      %get3A_370 = tpu.vector_load %arg12[%get3A, %get3A_369] {strides = array<i32>} : memref<2x128xf32, #tpu.memory_space<vmem>>, vector<16xf32>,
      %get3A_371 = arith.index_cast %and3A_317 : i32 to index
      %get3A_372 = arith.constant 0 : index
      %get3A_373 = tpu.vector_load %arg13[%get3A_371, %get3A_372] {strides = array<i32>} : memref<2x128xf32, #tpu.memory_space<vmem>>, vector<16xf32>,
      %add3A_374 = arith.addf %get3A_370, %get3A_373 : vector<16xf32>
      %gt3A = arith.constant 0.000000e+00 : f32
      %gt3A_375 = vector.broadcast %gt3A : f32 to vector<16xf32>
      %gt3A_376 = arith.cmpf ogt, %add3A_374, %gt3A_375 : vector<16xf32>
      %mul3A_377 = arith.constant 2.000000e-01 : f32
      %mul3A_378 = vector.broadcast %mul3A_377 : f32 to vector<16xf32>
      %mul3A_379 = arith.mulf %mul3A_378, %add3A_374 : vector<16xf32>
      %select_n3A = arith.select %gt3A_376, %add3A_374, %mul3A_379 : vector<16xi1>, vector<16xf32>
      %exp3A = math.exp %select_n3A : vector<16xf32>
      %mul3A_380 = arith.constant 128 : i32
      %mul3A_381 = arith.muli %scan3A_315, %mul3A_380 : i32
      %add3A_382 = arith.constant 0 : i32
      %add3A_383 = arith.addi %mul3A_381, %add3A_382 : i32
      %add3A_384 = vector.broadcast %add3A_383 : i32 to vector<16xi32>
      %add3A_385 = arith.addi %add3A_384, %iota3A : vector<16xi32>
      %lt3A_386 = arith.constant 10625 : i32
      %lt3A_387 = vector.broadcast %lt3A_386 : i32 to vector<16xi32>
      %lt3A_388 = arith.cmpi slt, %add3A_385, %lt3A_387 : vector<16xi32>
      %jit3A = arith.constant 0.000000e+00 : f32
      %broadcast_in_dim3A_389 = vector.broadcast %jit3A : f32 to vector<16xf32>
      %select_n3A_390 = arith.select %lt3A_388, %exp3A, %broadcast_in_dim3A_389 : vector<16xi1>, vector<16xf32>
      %swap3A_391 = arith.index_cast %and3A_317 : i32 to index
      %swap3A_392 = arith.constant 0 : index
      %swap3A_393 = tpu.vector_load %arg14[%swap3A_391, %swap3A_392] {strides = array<i32>} : memref<2x128xf32, #tpu.memory_space<vmem>>, vector<16xf32>,
      tpu.vector_store %arg14[%swap3A_391, %swap3A_392], %select_n3A_390 {strides = array<i32>} : memref<2x128xf32, #tpu.memory_space<vmem>>, vector<16xf32>,
      %get3A_394 = arith.index_cast %and3A_317 : i32 to index
      %get3A_395 = arith.constant 16 : index
      %get3A_396 = tpu.vector_load %arg12[%get3A_394, %get3A_395] {strides = array<i32>} : memref<2x128xf32, #tpu.memory_space<vmem>>, vector<16xf32>,
      %get3A_397 = arith.index_cast %and3A_317 : i32 to index
      %get3A_398 = arith.constant 16 : index
      %get3A_399 = tpu.vector_load %arg13[%get3A_397, %get3A_398] {strides = array<i32>} : memref<2x128xf32, #tpu.memory_space<vmem>>, vector<16xf32>,
      %add3A_400 = arith.addf %get3A_396, %get3A_399 : vector<16xf32>
      %gt3A_401 = arith.constant 0.000000e+00 : f32
      %gt3A_402 = vector.broadcast %gt3A_401 : f32 to vector<16xf32>
      %gt3A_403 = arith.cmpf ogt, %add3A_400, %gt3A_402 : vector<16xf32>
      %mul3A_404 = arith.constant 2.000000e-01 : f32
      %mul3A_405 = vector.broadcast %mul3A_404 : f32 to vector<16xf32>
      %mul3A_406 = arith.mulf %mul3A_405, %add3A_400 : vector<16xf32>
      %select_n3A_407 = arith.select %gt3A_403, %add3A_400, %mul3A_406 : vector<16xi1>, vector<16xf32>
      %exp3A_408 = math.exp %select_n3A_407 : vector<16xf32>
      %mul3A_409 = arith.constant 128 : i32
      %mul3A_410 = arith.muli %scan3A_315, %mul3A_409 : i32
      %add3A_411 = arith.constant 16 : i32
      %add3A_412 = arith.addi %mul3A_410, %add3A_411 : i32
      %add3A_413 = vector.broadcast %add3A_412 : i32 to vector<16xi32>
      %add3A_414 = arith.addi %add3A_413, %iota3A : vector<16xi32>
      %lt3A_415 = arith.constant 10625 : i32
      %lt3A_416 = vector.broadcast %lt3A_415 : i32 to vector<16xi32>
      %lt3A_417 = arith.cmpi slt, %add3A_414, %lt3A_416 : vector<16xi32>
      %jit3A_418 = arith.constant 0.000000e+00 : f32
      %broadcast_in_dim3A_419 = vector.broadcast %jit3A_418 : f32 to vector<16xf32>
      %select_n3A_420 = arith.select %lt3A_417, %exp3A_408, %broadcast_in_dim3A_419 : vector<16xi1>, vector<16xf32>
      %swap3A_421 = arith.index_cast %and3A_317 : i32 to index
      %swap3A_422 = arith.constant 16 : index
      %swap3A_423 = tpu.vector_load %arg14[%swap3A_421, %swap3A_422] {strides = array<i32>} : memref<2x128xf32, #tpu.memory_space<vmem>>, vector<16xf32>,
      tpu.vector_store %arg14[%swap3A_421, %swap3A_422], %select_n3A_420 {strides = array<i32>} : memref<2x128xf32, #tpu.memory_space<vmem>>, vector<16xf32>,
      %get3A_424 = arith.index_cast %and3A_317 : i32 to index
      %get3A_425 = arith.constant 32 : index
      %get3A_426 = tpu.vector_load %arg12[%get3A_424, %get3A_425] {strides = array<i32>} : memref<2x128xf32, #tpu.memory_space<vmem>>, vector<16xf32>,
      %get3A_427 = arith.index_cast %and3A_317 : i32 to index
      %get3A_428 = arith.constant 32 : index
      %get3A_429 = tpu.vector_load %arg13[%get3A_427, %get3A_428] {strides = array<i32>} : memref<2x128xf32, #tpu.memory_space<vmem>>, vector<16xf32>,
      %add3A_430 = arith.addf %get3A_426, %get3A_429 : vector<16xf32>
      %gt3A_431 = arith.constant 0.000000e+00 : f32
      %gt3A_432 = vector.broadcast %gt3A_431 : f32 to vector<16xf32>
      %gt3A_433 = arith.cmpf ogt, %add3A_430, %gt3A_432 : vector<16xf32>
      %mul3A_434 = arith.constant 2.000000e-01 : f32
      %mul3A_435 = vector.broadcast %mul3A_434 : f32 to vector<16xf32>
      %mul3A_436 = arith.mulf %mul3A_435, %add3A_430 : vector<16xf32>
      %select_n3A_437 = arith.select %gt3A_433, %add3A_430, %mul3A_436 : vector<16xi1>, vector<16xf32>
      %exp3A_438 = math.exp %select_n3A_437 : vector<16xf32>
      %mul3A_439 = arith.constant 128 : i32
      %mul3A_440 = arith.muli %scan3A_315, %mul3A_439 : i32
      %add3A_441 = arith.constant 32 : i32
      %add3A_442 = arith.addi %mul3A_440, %add3A_441 : i32
      %add3A_443 = vector.broadcast %add3A_442 : i32 to vector<16xi32>
      %add3A_444 = arith.addi %add3A_443, %iota3A : vector<16xi32>
      %lt3A_445 = arith.constant 10625 : i32
      %lt3A_446 = vector.broadcast %lt3A_445 : i32 to vector<16xi32>
      %lt3A_447 = arith.cmpi slt, %add3A_444, %lt3A_446 : vector<16xi32>
      %jit3A_448 = arith.constant 0.000000e+00 : f32
      %broadcast_in_dim3A_449 = vector.broadcast %jit3A_448 : f32 to vector<16xf32>
      %select_n3A_450 = arith.select %lt3A_447, %exp3A_438, %broadcast_in_dim3A_449 : vector<16xi1>, vector<16xf32>
      %swap3A_451 = arith.index_cast %and3A_317 : i32 to index
      %swap3A_452 = arith.constant 32 : index
      %swap3A_453 = tpu.vector_load %arg14[%swap3A_451, %swap3A_452] {strides = array<i32>} : memref<2x128xf32, #tpu.memory_space<vmem>>, vector<16xf32>,
      tpu.vector_store %arg14[%swap3A_451, %swap3A_452], %select_n3A_450 {strides = array<i32>} : memref<2x128xf32, #tpu.memory_space<vmem>>, vector<16xf32>,
      %get3A_454 = arith.index_cast %and3A_317 : i32 to index
      %get3A_455 = arith.constant 48 : index
      %get3A_456 = tpu.vector_load %arg12[%get3A_454, %get3A_455] {strides = array<i32>} : memref<2x128xf32, #tpu.memory_space<vmem>>, vector<16xf32>,
      %get3A_457 = arith.index_cast %and3A_317 : i32 to index
      %get3A_458 = arith.constant 48 : index
      %get3A_459 = tpu.vector_load %arg13[%get3A_457, %get3A_458] {strides = array<i32>} : memref<2x128xf32, #tpu.memory_space<vmem>>, vector<16xf32>,
      %add3A_460 = arith.addf %get3A_456, %get3A_459 : vector<16xf32>
      %gt3A_461 = arith.constant 0.000000e+00 : f32
      %gt3A_462 = vector.broadcast %gt3A_461 : f32 to vector<16xf32>
      %gt3A_463 = arith.cmpf ogt, %add3A_460, %gt3A_462 : vector<16xf32>
      %mul3A_464 = arith.constant 2.000000e-01 : f32
      %mul3A_465 = vector.broadcast %mul3A_464 : f32 to vector<16xf32>
      %mul3A_466 = arith.mulf %mul3A_465, %add3A_460 : vector<16xf32>
      %select_n3A_467 = arith.select %gt3A_463, %add3A_460, %mul3A_466 : vector<16xi1>, vector<16xf32>
      %exp3A_468 = math.exp %select_n3A_467 : vector<16xf32>
      %mul3A_469 = arith.constant 128 : i32
      %mul3A_470 = arith.muli %scan3A_315, %mul3A_469 : i32
      %add3A_471 = arith.constant 48 : i32
      %add3A_472 = arith.addi %mul3A_470, %add3A_471 : i32
      %add3A_473 = vector.broadcast %add3A_472 : i32 to vector<16xi32>
      %add3A_474 = arith.addi %add3A_473, %iota3A : vector<16xi32>
      %lt3A_475 = arith.constant 10625 : i32
      %lt3A_476 = vector.broadcast %lt3A_475 : i32 to vector<16xi32>
      %lt3A_477 = arith.cmpi slt, %add3A_474, %lt3A_476 : vector<16xi32>
      %jit3A_478 = arith.constant 0.000000e+00 : f32
      %broadcast_in_dim3A_479 = vector.broadcast %jit3A_478 : f32 to vector<16xf32>
      %select_n3A_480 = arith.select %lt3A_477, %exp3A_468, %broadcast_in_dim3A_479 : vector<16xi1>, vector<16xf32>
      %swap3A_481 = arith.index_cast %and3A_317 : i32 to index
      %swap3A_482 = arith.constant 48 : index
      %swap3A_483 = tpu.vector_load %arg14[%swap3A_481, %swap3A_482] {strides = array<i32>} : memref<2x128xf32, #tpu.memory_space<vmem>>, vector<16xf32>,
      tpu.vector_store %arg14[%swap3A_481, %swap3A_482], %select_n3A_480 {strides = array<i32>} : memref<2x128xf32, #tpu.memory_space<vmem>>, vector<16xf32>,
      %get3A_484 = arith.index_cast %and3A_317 : i32 to index
      %get3A_485 = arith.constant 64 : index
      %get3A_486 = tpu.vector_load %arg12[%get3A_484, %get3A_485] {strides = array<i32>} : memref<2x128xf32, #tpu.memory_space<vmem>>, vector<16xf32>,
      %get3A_487 = arith.index_cast %and3A_317 : i32 to index
      %get3A_488 = arith.constant 64 : index
      %get3A_489 = tpu.vector_load %arg13[%get3A_487, %get3A_488] {strides = array<i32>} : memref<2x128xf32, #tpu.memory_space<vmem>>, vector<16xf32>,
      %add3A_490 = arith.addf %get3A_486, %get3A_489 : vector<16xf32>
      %gt3A_491 = arith.constant 0.000000e+00 : f32
      %gt3A_492 = vector.broadcast %gt3A_491 : f32 to vector<16xf32>
      %gt3A_493 = arith.cmpf ogt, %add3A_490, %gt3A_492 : vector<16xf32>
      %mul3A_494 = arith.constant 2.000000e-01 : f32
      %mul3A_495 = vector.broadcast %mul3A_494 : f32 to vector<16xf32>
      %mul3A_496 = arith.mulf %mul3A_495, %add3A_490 : vector<16xf32>
      %select_n3A_497 = arith.select %gt3A_493, %add3A_490, %mul3A_496 : vector<16xi1>, vector<16xf32>
      %exp3A_498 = math.exp %select_n3A_497 : vector<16xf32>
      %mul3A_499 = arith.constant 128 : i32
      %mul3A_500 = arith.muli %scan3A_315, %mul3A_499 : i32
      %add3A_501 = arith.constant 64 : i32
      %add3A_502 = arith.addi %mul3A_500, %add3A_501 : i32
      %add3A_503 = vector.broadcast %add3A_502 : i32 to vector<16xi32>
      %add3A_504 = arith.addi %add3A_503, %iota3A : vector<16xi32>
      %lt3A_505 = arith.constant 10625 : i32
      %lt3A_506 = vector.broadcast %lt3A_505 : i32 to vector<16xi32>
      %lt3A_507 = arith.cmpi slt, %add3A_504, %lt3A_506 : vector<16xi32>
      %jit3A_508 = arith.constant 0.000000e+00 : f32
      %broadcast_in_dim3A_509 = vector.broadcast %jit3A_508 : f32 to vector<16xf32>
      %select_n3A_510 = arith.select %lt3A_507, %exp3A_498, %broadcast_in_dim3A_509 : vector<16xi1>, vector<16xf32>
      %swap3A_511 = arith.index_cast %and3A_317 : i32 to index
      %swap3A_512 = arith.constant 64 : index
      %swap3A_513 = tpu.vector_load %arg14[%swap3A_511, %swap3A_512] {strides = array<i32>} : memref<2x128xf32, #tpu.memory_space<vmem>>, vector<16xf32>,
      tpu.vector_store %arg14[%swap3A_511, %swap3A_512], %select_n3A_510 {strides = array<i32>} : memref<2x128xf32, #tpu.memory_space<vmem>>, vector<16xf32>,
      %get3A_514 = arith.index_cast %and3A_317 : i32 to index
      %get3A_515 = arith.constant 80 : index
      %get3A_516 = tpu.vector_load %arg12[%get3A_514, %get3A_515] {strides = array<i32>} : memref<2x128xf32, #tpu.memory_space<vmem>>, vector<16xf32>,
      %get3A_517 = arith.index_cast %and3A_317 : i32 to index
      %get3A_518 = arith.constant 80 : index
      %get3A_519 = tpu.vector_load %arg13[%get3A_517, %get3A_518] {strides = array<i32>} : memref<2x128xf32, #tpu.memory_space<vmem>>, vector<16xf32>,
      %add3A_520 = arith.addf %get3A_516, %get3A_519 : vector<16xf32>
      %gt3A_521 = arith.constant 0.000000e+00 : f32
      %gt3A_522 = vector.broadcast %gt3A_521 : f32 to vector<16xf32>
      %gt3A_523 = arith.cmpf ogt, %add3A_520, %gt3A_522 : vector<16xf32>
      %mul3A_524 = arith.constant 2.000000e-01 : f32
      %mul3A_525 = vector.broadcast %mul3A_524 : f32 to vector<16xf32>
      %mul3A_526 = arith.mulf %mul3A_525, %add3A_520 : vector<16xf32>
      %select_n3A_527 = arith.select %gt3A_523, %add3A_520, %mul3A_526 : vector<16xi1>, vector<16xf32>
      %exp3A_528 = math.exp %select_n3A_527 : vector<16xf32>
      %mul3A_529 = arith.constant 128 : i32
      %mul3A_530 = arith.muli %scan3A_315, %mul3A_529 : i32
      %add3A_531 = arith.constant 80 : i32
      %add3A_532 = arith.addi %mul3A_530, %add3A_531 : i32
      %add3A_533 = vector.broadcast %add3A_532 : i32 to vector<16xi32>
      %add3A_534 = arith.addi %add3A_533, %iota3A : vector<16xi32>
      %lt3A_535 = arith.constant 10625 : i32
      %lt3A_536 = vector.broadcast %lt3A_535 : i32 to vector<16xi32>
      %lt3A_537 = arith.cmpi slt, %add3A_534, %lt3A_536 : vector<16xi32>
      %jit3A_538 = arith.constant 0.000000e+00 : f32
      %broadcast_in_dim3A_539 = vector.broadcast %jit3A_538 : f32 to vector<16xf32>
      %select_n3A_540 = arith.select %lt3A_537, %exp3A_528, %broadcast_in_dim3A_539 : vector<16xi1>, vector<16xf32>
      %swap3A_541 = arith.index_cast %and3A_317 : i32 to index
      %swap3A_542 = arith.constant 80 : index
      %swap3A_543 = tpu.vector_load %arg14[%swap3A_541, %swap3A_542] {strides = array<i32>} : memref<2x128xf32, #tpu.memory_space<vmem>>, vector<16xf32>,
      tpu.vector_store %arg14[%swap3A_541, %swap3A_542], %select_n3A_540 {strides = array<i32>} : memref<2x128xf32, #tpu.memory_space<vmem>>, vector<16xf32>,
      %get3A_544 = arith.index_cast %and3A_317 : i32 to index
      %get3A_545 = arith.constant 96 : index
      %get3A_546 = tpu.vector_load %arg12[%get3A_544, %get3A_545] {strides = array<i32>} : memref<2x128xf32, #tpu.memory_space<vmem>>, vector<16xf32>,
      %get3A_547 = arith.index_cast %and3A_317 : i32 to index
      %get3A_548 = arith.constant 96 : index
      %get3A_549 = tpu.vector_load %arg13[%get3A_547, %get3A_548] {strides = array<i32>} : memref<2x128xf32, #tpu.memory_space<vmem>>, vector<16xf32>,
      %add3A_550 = arith.addf %get3A_546, %get3A_549 : vector<16xf32>
      %gt3A_551 = arith.constant 0.000000e+00 : f32
      %gt3A_552 = vector.broadcast %gt3A_551 : f32 to vector<16xf32>
      %gt3A_553 = arith.cmpf ogt, %add3A_550, %gt3A_552 : vector<16xf32>
      %mul3A_554 = arith.constant 2.000000e-01 : f32
      %mul3A_555 = vector.broadcast %mul3A_554 : f32 to vector<16xf32>
      %mul3A_556 = arith.mulf %mul3A_555, %add3A_550 : vector<16xf32>
      %select_n3A_557 = arith.select %gt3A_553, %add3A_550, %mul3A_556 : vector<16xi1>, vector<16xf32>
      %exp3A_558 = math.exp %select_n3A_557 : vector<16xf32>
      %mul3A_559 = arith.constant 128 : i32
      %mul3A_560 = arith.muli %scan3A_315, %mul3A_559 : i32
      %add3A_561 = arith.constant 96 : i32
      %add3A_562 = arith.addi %mul3A_560, %add3A_561 : i32
      %add3A_563 = vector.broadcast %add3A_562 : i32 to vector<16xi32>
      %add3A_564 = arith.addi %add3A_563, %iota3A : vector<16xi32>
      %lt3A_565 = arith.constant 10625 : i32
      %lt3A_566 = vector.broadcast %lt3A_565 : i32 to vector<16xi32>
      %lt3A_567 = arith.cmpi slt, %add3A_564, %lt3A_566 : vector<16xi32>
      %jit3A_568 = arith.constant 0.000000e+00 : f32
      %broadcast_in_dim3A_569 = vector.broadcast %jit3A_568 : f32 to vector<16xf32>
      %select_n3A_570 = arith.select %lt3A_567, %exp3A_558, %broadcast_in_dim3A_569 : vector<16xi1>, vector<16xf32>
      %swap3A_571 = arith.index_cast %and3A_317 : i32 to index
      %swap3A_572 = arith.constant 96 : index
      %swap3A_573 = tpu.vector_load %arg14[%swap3A_571, %swap3A_572] {strides = array<i32>} : memref<2x128xf32, #tpu.memory_space<vmem>>, vector<16xf32>,
      tpu.vector_store %arg14[%swap3A_571, %swap3A_572], %select_n3A_570 {strides = array<i32>} : memref<2x128xf32, #tpu.memory_space<vmem>>, vector<16xf32>,
      %get3A_574 = arith.index_cast %and3A_317 : i32 to index
      %get3A_575 = arith.constant 112 : index
      %get3A_576 = tpu.vector_load %arg12[%get3A_574, %get3A_575] {strides = array<i32>} : memref<2x128xf32, #tpu.memory_space<vmem>>, vector<16xf32>,
      %get3A_577 = arith.index_cast %and3A_317 : i32 to index
      %get3A_578 = arith.constant 112 : index
      %get3A_579 = tpu.vector_load %arg13[%get3A_577, %get3A_578] {strides = array<i32>} : memref<2x128xf32, #tpu.memory_space<vmem>>, vector<16xf32>,
      %add3A_580 = arith.addf %get3A_576, %get3A_579 : vector<16xf32>
      %gt3A_581 = arith.constant 0.000000e+00 : f32
      %gt3A_582 = vector.broadcast %gt3A_581 : f32 to vector<16xf32>
      %gt3A_583 = arith.cmpf ogt, %add3A_580, %gt3A_582 : vector<16xf32>
      %mul3A_584 = arith.constant 2.000000e-01 : f32
      %mul3A_585 = vector.broadcast %mul3A_584 : f32 to vector<16xf32>
      %mul3A_586 = arith.mulf %mul3A_585, %add3A_580 : vector<16xf32>
      %select_n3A_587 = arith.select %gt3A_583, %add3A_580, %mul3A_586 : vector<16xi1>, vector<16xf32>
      %exp3A_588 = math.exp %select_n3A_587 : vector<16xf32>
      %mul3A_589 = arith.constant 128 : i32
      %mul3A_590 = arith.muli %scan3A_315, %mul3A_589 : i32
      %add3A_591 = arith.constant 112 : i32
      %add3A_592 = arith.addi %mul3A_590, %add3A_591 : i32
      %add3A_593 = vector.broadcast %add3A_592 : i32 to vector<16xi32>
      %add3A_594 = arith.addi %add3A_593, %iota3A : vector<16xi32>
      %lt3A_595 = arith.constant 10625 : i32
      %lt3A_596 = vector.broadcast %lt3A_595 : i32 to vector<16xi32>
      %lt3A_597 = arith.cmpi slt, %add3A_594, %lt3A_596 : vector<16xi32>
      %jit3A_598 = arith.constant 0.000000e+00 : f32
      %broadcast_in_dim3A_599 = vector.broadcast %jit3A_598 : f32 to vector<16xf32>
      %select_n3A_600 = arith.select %lt3A_597, %exp3A_588, %broadcast_in_dim3A_599 : vector<16xi1>, vector<16xf32>
      %swap3A_601 = arith.index_cast %and3A_317 : i32 to index
      %swap3A_602 = arith.constant 112 : index
      %swap3A_603 = tpu.vector_load %arg14[%swap3A_601, %swap3A_602] {strides = array<i32>} : memref<2x128xf32, #tpu.memory_space<vmem>>, vector<16xf32>,
      tpu.vector_store %arg14[%swap3A_601, %swap3A_602], %select_n3A_600 {strides = array<i32>} : memref<2x128xf32, #tpu.memory_space<vmem>>, vector<16xf32>,
      %scan3A_604 = arith.constant 0 : i32
      %scan3A_605 = arith.constant 0 : i32
      %scan3A_606 = arith.constant 128 : i32
      %scan3A_607 = arith.addi %scan3A_605, %scan3A_606 : i32
      %scan3A_608 = arith.constant 1 : i32
      scf.for %scan3A_634 = %scan3A_605 to %scan3A_607 step %scan3A_608  : i32 {
        %broadcast_in_dim3A_635 = vector.broadcast %scan3A_634 : i32 to vector<16xi32>
        %gather3A = arith.constant 0 : i32
        %gather3A_636 = tpu.memref_slice %arg14[%and3A_317, %gather3A] : memref<2x128xf32, #tpu.memory_space<vmem>> -> memref<1x128xf32, #tpu.memory_space<vmem>>
        %gather3A_637 = tpu.memref_squeeze %gather3A_636 : memref<1x128xf32, #tpu.memory_space<vmem>> -> memref<128xf32, #tpu.memory_space<vmem>>
        %gather3A_638 = tpu.vector_load_idx %gather3A_637[%broadcast_in_dim3A_635] : memref<128xf32, #tpu.memory_space<vmem>>[vector<16xi32>], vector<16xf32>,
        %get3A_639 = arith.index_cast %and3A_317 : i32 to index
        %get3A_640 = arith.index_cast %scan3A_634 : i32 to index
        %get3A_641 = arith.constant 0 : index
        %get3A_642 = tpu.vector_load %arg15[%get3A_639, %get3A_640, %get3A_641] {strides = array<i32>} : memref<2x128x128xf32, #tpu.memory_space<vmem>>, vector<16xf32>,
        %mul3A_643 = arith.mulf %get3A_642, %gather3A_638 : vector<16xf32>
        %swap3A_644 = arith.index_cast %and3A_317 : i32 to index
        %swap3A_645 = arith.index_cast %scan3A_634 : i32 to index
        %swap3A_646 = arith.constant 0 : index
        %swap3A_647 = tpu.vector_load %arg15[%swap3A_644, %swap3A_645, %swap3A_646] {strides = array<i32>} : memref<2x128x128xf32, #tpu.memory_space<vmem>>, vector<16xf32>,
        tpu.vector_store %arg15[%swap3A_644, %swap3A_645, %swap3A_646], %mul3A_643 {strides = array<i32>} : memref<2x128x128xf32, #tpu.memory_space<vmem>>, vector<16xf32>,
        %get3A_648 = arith.index_cast %and3A_317 : i32 to index
        %get3A_649 = arith.index_cast %scan3A_634 : i32 to index
        %get3A_650 = arith.constant 16 : index
        %get3A_651 = tpu.vector_load %arg15[%get3A_648, %get3A_649, %get3A_650] {strides = array<i32>} : memref<2x128x128xf32, #tpu.memory_space<vmem>>, vector<16xf32>,
        %mul3A_652 = arith.mulf %get3A_651, %gather3A_638 : vector<16xf32>
        %swap3A_653 = arith.index_cast %and3A_317 : i32 to index
        %swap3A_654 = arith.index_cast %scan3A_634 : i32 to index
        %swap3A_655 = arith.constant 16 : index
        %swap3A_656 = tpu.vector_load %arg15[%swap3A_653, %swap3A_654, %swap3A_655] {strides = array<i32>} : memref<2x128x128xf32, #tpu.memory_space<vmem>>, vector<16xf32>,
        tpu.vector_store %arg15[%swap3A_653, %swap3A_654, %swap3A_655], %mul3A_652 {strides = array<i32>} : memref<2x128x128xf32, #tpu.memory_space<vmem>>, vector<16xf32>,
        %get3A_657 = arith.index_cast %and3A_317 : i32 to index
        %get3A_658 = arith.index_cast %scan3A_634 : i32 to index
        %get3A_659 = arith.constant 32 : index
        %get3A_660 = tpu.vector_load %arg15[%get3A_657, %get3A_658, %get3A_659] {strides = array<i32>} : memref<2x128x128xf32, #tpu.memory_space<vmem>>, vector<16xf32>,
        %mul3A_661 = arith.mulf %get3A_660, %gather3A_638 : vector<16xf32>
        %swap3A_662 = arith.index_cast %and3A_317 : i32 to index
        %swap3A_663 = arith.index_cast %scan3A_634 : i32 to index
        %swap3A_664 = arith.constant 32 : index
        %swap3A_665 = tpu.vector_load %arg15[%swap3A_662, %swap3A_663, %swap3A_664] {strides = array<i32>} : memref<2x128x128xf32, #tpu.memory_space<vmem>>, vector<16xf32>,
        tpu.vector_store %arg15[%swap3A_662, %swap3A_663, %swap3A_664], %mul3A_661 {strides = array<i32>} : memref<2x128x128xf32, #tpu.memory_space<vmem>>, vector<16xf32>,
        %get3A_666 = arith.index_cast %and3A_317 : i32 to index
        %get3A_667 = arith.index_cast %scan3A_634 : i32 to index
        %get3A_668 = arith.constant 48 : index
        %get3A_669 = tpu.vector_load %arg15[%get3A_666, %get3A_667, %get3A_668] {strides = array<i32>} : memref<2x128x128xf32, #tpu.memory_space<vmem>>, vector<16xf32>,
        %mul3A_670 = arith.mulf %get3A_669, %gather3A_638 : vector<16xf32>
        %swap3A_671 = arith.index_cast %and3A_317 : i32 to index
        %swap3A_672 = arith.index_cast %scan3A_634 : i32 to index
        %swap3A_673 = arith.constant 48 : index
        %swap3A_674 = tpu.vector_load %arg15[%swap3A_671, %swap3A_672, %swap3A_673] {strides = array<i32>} : memref<2x128x128xf32, #tpu.memory_space<vmem>>, vector<16xf32>,
        tpu.vector_store %arg15[%swap3A_671, %swap3A_672, %swap3A_673], %mul3A_670 {strides = array<i32>} : memref<2x128x128xf32, #tpu.memory_space<vmem>>, vector<16xf32>,
        %get3A_675 = arith.index_cast %and3A_317 : i32 to index
        %get3A_676 = arith.index_cast %scan3A_634 : i32 to index
        %get3A_677 = arith.constant 64 : index
        %get3A_678 = tpu.vector_load %arg15[%get3A_675, %get3A_676, %get3A_677] {strides = array<i32>} : memref<2x128x128xf32, #tpu.memory_space<vmem>>, vector<16xf32>,
        %mul3A_679 = arith.mulf %get3A_678, %gather3A_638 : vector<16xf32>
        %swap3A_680 = arith.index_cast %and3A_317 : i32 to index
        %swap3A_681 = arith.index_cast %scan3A_634 : i32 to index
        %swap3A_682 = arith.constant 64 : index
        %swap3A_683 = tpu.vector_load %arg15[%swap3A_680, %swap3A_681, %swap3A_682] {strides = array<i32>} : memref<2x128x128xf32, #tpu.memory_space<vmem>>, vector<16xf32>,
        tpu.vector_store %arg15[%swap3A_680, %swap3A_681, %swap3A_682], %mul3A_679 {strides = array<i32>} : memref<2x128x128xf32, #tpu.memory_space<vmem>>, vector<16xf32>,
        %get3A_684 = arith.index_cast %and3A_317 : i32 to index
        %get3A_685 = arith.index_cast %scan3A_634 : i32 to index
        %get3A_686 = arith.constant 80 : index
        %get3A_687 = tpu.vector_load %arg15[%get3A_684, %get3A_685, %get3A_686] {strides = array<i32>} : memref<2x128x128xf32, #tpu.memory_space<vmem>>, vector<16xf32>,
        %mul3A_688 = arith.mulf %get3A_687, %gather3A_638 : vector<16xf32>
        %swap3A_689 = arith.index_cast %and3A_317 : i32 to index
        %swap3A_690 = arith.index_cast %scan3A_634 : i32 to index
        %swap3A_691 = arith.constant 80 : index
        %swap3A_692 = tpu.vector_load %arg15[%swap3A_689, %swap3A_690, %swap3A_691] {strides = array<i32>} : memref<2x128x128xf32, #tpu.memory_space<vmem>>, vector<16xf32>,
        tpu.vector_store %arg15[%swap3A_689, %swap3A_690, %swap3A_691], %mul3A_688 {strides = array<i32>} : memref<2x128x128xf32, #tpu.memory_space<vmem>>, vector<16xf32>,
        %get3A_693 = arith.index_cast %and3A_317 : i32 to index
        %get3A_694 = arith.index_cast %scan3A_634 : i32 to index
        %get3A_695 = arith.constant 96 : index
        %get3A_696 = tpu.vector_load %arg15[%get3A_693, %get3A_694, %get3A_695] {strides = array<i32>} : memref<2x128x128xf32, #tpu.memory_space<vmem>>, vector<16xf32>,
        %mul3A_697 = arith.mulf %get3A_696, %gather3A_638 : vector<16xf32>
        %swap3A_698 = arith.index_cast %and3A_317 : i32 to index
        %swap3A_699 = arith.index_cast %scan3A_634 : i32 to index
        %swap3A_700 = arith.constant 96 : index
        %swap3A_701 = tpu.vector_load %arg15[%swap3A_698, %swap3A_699, %swap3A_700] {strides = array<i32>} : memref<2x128x128xf32, #tpu.memory_space<vmem>>, vector<16xf32>,
        tpu.vector_store %arg15[%swap3A_698, %swap3A_699, %swap3A_700], %mul3A_697 {strides = array<i32>} : memref<2x128x128xf32, #tpu.memory_space<vmem>>, vector<16xf32>,
        %get3A_702 = arith.index_cast %and3A_317 : i32 to index
        %get3A_703 = arith.index_cast %scan3A_634 : i32 to index
        %get3A_704 = arith.constant 112 : index
        %get3A_705 = tpu.vector_load %arg15[%get3A_702, %get3A_703, %get3A_704] {strides = array<i32>} : memref<2x128x128xf32, #tpu.memory_space<vmem>>, vector<16xf32>,
        %mul3A_706 = arith.mulf %get3A_705, %gather3A_638 : vector<16xf32>
        %swap3A_707 = arith.index_cast %and3A_317 : i32 to index
        %swap3A_708 = arith.index_cast %scan3A_634 : i32 to index
        %swap3A_709 = arith.constant 112 : index
        %swap3A_710 = tpu.vector_load %arg15[%swap3A_707, %swap3A_708, %swap3A_709] {strides = array<i32>} : memref<2x128x128xf32, #tpu.memory_space<vmem>>, vector<16xf32>,
        tpu.vector_store %arg15[%swap3A_707, %swap3A_708, %swap3A_709], %mul3A_706 {strides = array<i32>} : memref<2x128x128xf32, #tpu.memory_space<vmem>>, vector<16xf32>,
      }
      %scan3A_609 = arith.constant 128 : i32
      %and3A_610 = arith.constant 3 : i32
      %and3A_611 = arith.andi %scan3A_315, %and3A_610 : i32
      %dma_start3A_612 = arith.constant 0 : i32
      %dma_start3A_613 = arith.constant 0 : i32
      %dma_start3A_614 = tpu.memref_slice %arg15[%and3A_317, %dma_start3A_612, %dma_start3A_613] : memref<2x128x128xf32, #tpu.memory_space<vmem>> -> memref<1x128x128xf32, #tpu.memory_space<vmem>>
      %dma_start3A_615 = tpu.memref_squeeze %dma_start3A_614 : memref<1x128x128xf32, #tpu.memory_space<vmem>> -> memref<128x128xf32, #tpu.memory_space<vmem>>
      %dma_start3A_616 = arith.constant 0 : i32
      %dma_start3A_617 = tpu.memref_slice %arg11[%and3A_611, %dma_start3A_616] : memref<4x128xi32, #tpu.memory_space<vmem>> -> memref<1x128xi32, #tpu.memory_space<vmem>>
      %dma_start3A_618 = tpu.memref_squeeze %dma_start3A_617 : memref<1x128xi32, #tpu.memory_space<vmem>> -> memref<128xi32, #tpu.memory_space<vmem>>
      %dma_start3A_619 = arith.constant 0 : i32
      %dma_start3A_620 = arith.constant 0 : i32
      %dma_start3A_621 = tpu.memref_slice %arg16[%dma_start3A_619, %dma_start3A_620] : memref<10240x128xf32, #tpu.memory_space<vmem_shared>> -> memref<10240x128xf32, #tpu.memory_space<vmem_shared>>
      %dma_start3A_622 = tpu.memref_slice %arg20[%and3A_317] : memref<2x!tpu.dma_semaphore, #tpu.memory_space<semaphore_mem>> -> memref<1x!tpu.dma_semaphore, #tpu.memory_space<semaphore_mem>>
      %dma_start3A_623 = tpu.memref_squeeze %dma_start3A_622 : memref<1x!tpu.dma_semaphore, #tpu.memory_space<semaphore_mem>> -> memref<!tpu.dma_semaphore, #tpu.memory_space<semaphore_mem>>
      tpu.enqueue_indirect_dma source(%dma_start3A_615 : memref<128x128xf32, #tpu.memory_space<vmem>>) target(%dma_start3A_621 : memref<10240x128xf32, #tpu.memory_space<vmem_shared>>) offsets(%dma_start3A_618 : memref<128xi32, #tpu.memory_space<vmem>>) semaphore(%dma_start3A_623 : memref<!tpu.dma_semaphore, #tpu.memory_space<semaphore_mem>>) {add = true}
      %dma_start3A_624 = arith.constant 0 : i32
      %dma_start3A_625 = tpu.memref_slice %arg14[%and3A_317, %dma_start3A_624] : memref<2x128xf32, #tpu.memory_space<vmem>> -> memref<1x128xf32, #tpu.memory_space<vmem>>
      %dma_start3A_626 = tpu.memref_squeeze %dma_start3A_625 : memref<1x128xf32, #tpu.memory_space<vmem>> -> memref<128xf32, #tpu.memory_space<vmem>>
      %dma_start3A_627 = arith.constant 0 : i32
      %dma_start3A_628 = tpu.memref_slice %arg11[%and3A_611, %dma_start3A_627] : memref<4x128xi32, #tpu.memory_space<vmem>> -> memref<1x128xi32, #tpu.memory_space<vmem>>
      %dma_start3A_629 = tpu.memref_squeeze %dma_start3A_628 : memref<1x128xi32, #tpu.memory_space<vmem>> -> memref<128xi32, #tpu.memory_space<vmem>>
      %dma_start3A_630 = arith.constant 0 : i32
      %dma_start3A_631 = tpu.memref_slice %arg17[%dma_start3A_630] : memref<10240xf32, #tpu.memory_space<vmem_shared>> -> memref<10240xf32, #tpu.memory_space<vmem_shared>>
      %dma_start3A_632 = tpu.memref_slice %arg20[%and3A_317] : memref<2x!tpu.dma_semaphore, #tpu.memory_space<semaphore_mem>> -> memref<1x!tpu.dma_semaphore, #tpu.memory_space<semaphore_mem>>
      %dma_start3A_633 = tpu.memref_squeeze %dma_start3A_632 : memref<1x!tpu.dma_semaphore, #tpu.memory_space<semaphore_mem>> -> memref<!tpu.dma_semaphore, #tpu.memory_space<semaphore_mem>>
      tpu.enqueue_indirect_dma source(%dma_start3A_626 : memref<128xf32, #tpu.memory_space<vmem>>) target(%dma_start3A_631 : memref<10240xf32, #tpu.memory_space<vmem_shared>>) offsets(%dma_start3A_629 : memref<128xi32, #tpu.memory_space<vmem>>) semaphore(%dma_start3A_633 : memref<!tpu.dma_semaphore, #tpu.memory_space<semaphore_mem>>) {add = true}
    }
    %scan3A_277 = arith.constant 84 : i32
    %and3A_278 = arith.constant 83 : i32
    %and3A_279 = arith.constant 3 : i32
    %and3A_280 = arith.andi %and3A_278, %and3A_279 : i32
    %dma_wait3A_281 = arith.constant 1 : i32
    %dma_wait3A_282 = arith.constant 1 : i32
    %dma_wait3A_283 = arith.constant 0 : i32
    %dma_wait3A_284 = arith.constant 0 : i32
    %dma_wait3A_285 = tpu.memref_slice %arg15[%dma_wait3A_281, %dma_wait3A_283, %dma_wait3A_284] : memref<2x128x128xf32, #tpu.memory_space<vmem>> -> memref<1x128x128xf32, #tpu.memory_space<vmem>>
    %dma_wait3A_286 = tpu.memref_squeeze %dma_wait3A_285 : memref<1x128x128xf32, #tpu.memory_space<vmem>> -> memref<128x128xf32, #tpu.memory_space<vmem>>
    %dma_wait3A_287 = arith.constant 0 : i32
    %dma_wait3A_288 = tpu.memref_slice %arg11[%and3A_280, %dma_wait3A_287] : memref<4x128xi32, #tpu.memory_space<vmem>> -> memref<1x128xi32, #tpu.memory_space<vmem>>
    %dma_wait3A_289 = tpu.memref_squeeze %dma_wait3A_288 : memref<1x128xi32, #tpu.memory_space<vmem>> -> memref<128xi32, #tpu.memory_space<vmem>>
    %dma_wait3A_290 = arith.constant 0 : i32
    %dma_wait3A_291 = arith.constant 0 : i32
    %dma_wait3A_292 = tpu.memref_slice %arg16[%dma_wait3A_290, %dma_wait3A_291] : memref<10240x128xf32, #tpu.memory_space<vmem_shared>> -> memref<10240x128xf32, #tpu.memory_space<vmem_shared>>
    %dma_wait3A_293 = tpu.memref_slice %arg20[%dma_wait3A_282] : memref<2x!tpu.dma_semaphore, #tpu.memory_space<semaphore_mem>> -> memref<1x!tpu.dma_semaphore, #tpu.memory_space<semaphore_mem>>
    %dma_wait3A_294 = tpu.memref_squeeze %dma_wait3A_293 : memref<1x!tpu.dma_semaphore, #tpu.memory_space<semaphore_mem>> -> memref<!tpu.dma_semaphore, #tpu.memory_space<semaphore_mem>>
    tpu.wait_indirect_dma semaphore(%dma_wait3A_294 : memref<!tpu.dma_semaphore, #tpu.memory_space<semaphore_mem>>) src(%dma_wait3A_286 : memref<128x128xf32, #tpu.memory_space<vmem>>) dst(%dma_wait3A_292 : memref<10240x128xf32, #tpu.memory_space<vmem_shared>>)
    %dma_wait3A_295 = arith.constant 1 : i32
    %dma_wait3A_296 = arith.constant 1 : i32
    %dma_wait3A_297 = arith.constant 0 : i32
    %dma_wait3A_298 = tpu.memref_slice %arg14[%dma_wait3A_295, %dma_wait3A_297] : memref<2x128xf32, #tpu.memory_space<vmem>> -> memref<1x128xf32, #tpu.memory_space<vmem>>
    %dma_wait3A_299 = tpu.memref_squeeze %dma_wait3A_298 : memref<1x128xf32, #tpu.memory_space<vmem>> -> memref<128xf32, #tpu.memory_space<vmem>>
    %dma_wait3A_300 = arith.constant 0 : i32
    %dma_wait3A_301 = tpu.memref_slice %arg11[%and3A_280, %dma_wait3A_300] : memref<4x128xi32, #tpu.memory_space<vmem>> -> memref<1x128xi32, #tpu.memory_space<vmem>>
    %dma_wait3A_302 = tpu.memref_squeeze %dma_wait3A_301 : memref<1x128xi32, #tpu.memory_space<vmem>> -> memref<128xi32, #tpu.memory_space<vmem>>
    %dma_wait3A_303 = arith.constant 0 : i32
    %dma_wait3A_304 = tpu.memref_slice %arg17[%dma_wait3A_303] : memref<10240xf32, #tpu.memory_space<vmem_shared>> -> memref<10240xf32, #tpu.memory_space<vmem_shared>>
    %dma_wait3A_305 = tpu.memref_slice %arg20[%dma_wait3A_296] : memref<2x!tpu.dma_semaphore, #tpu.memory_space<semaphore_mem>> -> memref<1x!tpu.dma_semaphore, #tpu.memory_space<semaphore_mem>>
    %dma_wait3A_306 = tpu.memref_squeeze %dma_wait3A_305 : memref<1x!tpu.dma_semaphore, #tpu.memory_space<semaphore_mem>> -> memref<!tpu.dma_semaphore, #tpu.memory_space<semaphore_mem>>
    tpu.wait_indirect_dma semaphore(%dma_wait3A_306 : memref<!tpu.dma_semaphore, #tpu.memory_space<semaphore_mem>>) src(%dma_wait3A_299 : memref<128xf32, #tpu.memory_space<vmem>>) dst(%dma_wait3A_304 : memref<10240xf32, #tpu.memory_space<vmem_shared>>)
    %barrier3A_307 = arith.constant 0 : index
    tpu.barrier barrier_id(%barrier3A_307)
    %mul3A = arith.constant 640 : i32
    %mul3A_308 = arith.muli %arg1, %mul3A : i32
    %mul3A_309 = arith.constant 640 : i32
    %mul3A_310 = arith.muli %arg1, %mul3A_309 : i32
    "tpu.region"() ({
      %run_scoped3A = tpu.sem_alloc : memref<!tpu.dma_semaphore, #tpu.memory_space<semaphore_mem>>
      %dma_start3A_315 = arith.constant 0 : i32
      %dma_start3A_316 = arith.constant 0 : i32
      %dma_start3A_317 = tpu.memref_slice %arg8[%arg0, %dma_start3A_315, %dma_start3A_316] : memref<2x10240x128xf32, #tpu.memory_space<hbm>> -> memref<1x10240x128xf32, #tpu.memory_space<hbm>>
      %dma_start3A_318 = tpu.memref_squeeze %dma_start3A_317 : memref<1x10240x128xf32, #tpu.memory_space<hbm>> -> memref<10240x128xf32, #tpu.memory_space<hbm>>
      %dma_start3A_319 = arith.constant 0 : i32
      %dma_start3A_320 = tpu.memref_slice %dma_start3A_318[%mul3A_310, %dma_start3A_319] : memref<10240x128xf32, #tpu.memory_space<hbm>> -> memref<640x128xf32, #tpu.memory_space<hbm>>
      %dma_start3A_321 = arith.constant 0 : i32
      %dma_start3A_322 = tpu.memref_slice %arg16[%mul3A_308, %dma_start3A_321] : memref<10240x128xf32, #tpu.memory_space<vmem_shared>> -> memref<640x128xf32, #tpu.memory_space<vmem_shared>>
      tpu.enqueue_dma source(%dma_start3A_322 : memref<640x128xf32, #tpu.memory_space<vmem_shared>>) target(%dma_start3A_320 : memref<640x128xf32, #tpu.memory_space<hbm>>) target_semaphore(%run_scoped3A : memref<!tpu.dma_semaphore, #tpu.memory_space<semaphore_mem>>)
      %dma_wait3A_323 = arith.constant 0 : i32
      %dma_wait3A_324 = arith.constant 0 : i32
      %dma_wait3A_325 = tpu.memref_slice %arg8[%arg0, %dma_wait3A_323, %dma_wait3A_324] : memref<2x10240x128xf32, #tpu.memory_space<hbm>> -> memref<1x10240x128xf32, #tpu.memory_space<hbm>>
      %dma_wait3A_326 = tpu.memref_squeeze %dma_wait3A_325 : memref<1x10240x128xf32, #tpu.memory_space<hbm>> -> memref<10240x128xf32, #tpu.memory_space<hbm>>
      %dma_wait3A_327 = arith.constant 0 : i32
      %dma_wait3A_328 = tpu.memref_slice %dma_wait3A_326[%mul3A_310, %dma_wait3A_327] : memref<10240x128xf32, #tpu.memory_space<hbm>> -> memref<640x128xf32, #tpu.memory_space<hbm>>
      %dma_wait3A_329 = arith.constant 0 : i32
      %dma_wait3A_330 = tpu.memref_slice %arg16[%mul3A_308, %dma_wait3A_329] : memref<10240x128xf32, #tpu.memory_space<vmem_shared>> -> memref<640x128xf32, #tpu.memory_space<vmem_shared>>
      tpu.wait_dma2 semaphore(%run_scoped3A : memref<!tpu.dma_semaphore, #tpu.memory_space<semaphore_mem>>) src(%dma_wait3A_330 : memref<640x128xf32, #tpu.memory_space<vmem_shared>>) dst(%dma_wait3A_328 : memref<640x128xf32, #tpu.memory_space<hbm>>)
      tpu.yield
    }) : () -> ()
    %mul3A_311 = arith.constant 640 : i32
    %mul3A_312 = arith.muli %arg1, %mul3A_311 : i32
    %mul3A_313 = arith.constant 640 : i32
    %mul3A_314 = arith.muli %arg1, %mul3A_313 : i32
    "tpu.region"() ({
      %run_scoped3A = tpu.sem_alloc : memref<!tpu.dma_semaphore, #tpu.memory_space<semaphore_mem>>
      %dma_start3A_315 = arith.constant 0 : i32
      %dma_start3A_316 = tpu.memref_slice %arg9[%arg0, %dma_start3A_315] : memref<2x10240xf32, #tpu.memory_space<hbm>> -> memref<1x10240xf32, #tpu.memory_space<hbm>>
      %dma_start3A_317 = tpu.memref_squeeze %dma_start3A_316 : memref<1x10240xf32, #tpu.memory_space<hbm>> -> memref<10240xf32, #tpu.memory_space<hbm>>
      %dma_start3A_318 = tpu.memref_slice %dma_start3A_317[%mul3A_314] : memref<10240xf32, #tpu.memory_space<hbm>> -> memref<640xf32, #tpu.memory_space<hbm>>
      %dma_start3A_319 = tpu.memref_slice %arg17[%mul3A_312] : memref<10240xf32, #tpu.memory_space<vmem_shared>> -> memref<640xf32, #tpu.memory_space<vmem_shared>>
      tpu.enqueue_dma source(%dma_start3A_319 : memref<640xf32, #tpu.memory_space<vmem_shared>>) target(%dma_start3A_318 : memref<640xf32, #tpu.memory_space<hbm>>) target_semaphore(%run_scoped3A : memref<!tpu.dma_semaphore, #tpu.memory_space<semaphore_mem>>)
      %dma_wait3A_320 = arith.constant 0 : i32
      %dma_wait3A_321 = tpu.memref_slice %arg9[%arg0, %dma_wait3A_320] : memref<2x10240xf32, #tpu.memory_space<hbm>> -> memref<1x10240xf32, #tpu.memory_space<hbm>>
      %dma_wait3A_322 = tpu.memref_squeeze %dma_wait3A_321 : memref<1x10240xf32, #tpu.memory_space<hbm>> -> memref<10240xf32, #tpu.memory_space<hbm>>
      %dma_wait3A_323 = tpu.memref_slice %dma_wait3A_322[%mul3A_314] : memref<10240xf32, #tpu.memory_space<hbm>> -> memref<640xf32, #tpu.memory_space<hbm>>
      %dma_wait3A_324 = tpu.memref_slice %arg17[%mul3A_312] : memref<10240xf32, #tpu.memory_space<vmem_shared>> -> memref<640xf32, #tpu.memory_space<vmem_shared>>
      tpu.wait_dma2 semaphore(%run_scoped3A : memref<!tpu.dma_semaphore, #tpu.memory_space<semaphore_mem>>) src(%dma_wait3A_324 : memref<640xf32, #tpu.memory_space<vmem_shared>>) dst(%dma_wait3A_323 : memref<640xf32, #tpu.memory_space<hbm>>)
      tpu.yield
    }) : () -> ()
    return
  }
}

module attributes {stable_mosaic.version = 14 : i64} {
  func.func @_tc1_body(%arg0: i32, %arg1: memref<512x128xf32, #tpu.memory_space<vmem>>, %arg2: memref<128x256xf32, #tpu.memory_space<vmem>>, %arg3: memref<256x1xf32, #tpu.memory_space<vmem>>, %arg4: memref<256x1xf32, #tpu.memory_space<vmem>>, %arg5: memref<512x128xf32, #tpu.memory_space<vmem>>, %arg6: memref<512x128xf32, #tpu.memory_space<vmem>>, %arg7: memref<512x1xf32, #tpu.memory_space<vmem>>, %arg8: memref<512x1xf32, #tpu.memory_space<vmem>>) attributes {dimension_semantics = [#tpu.dimension_semantics<arbitrary>], iteration_bounds = array<i64: 20>, scalar_prefetch = 0 : i64, scratch_operands = 0 : i64, tpu.core_type = #tpu.core_type<tc>, window_params = [{transform_indices = @transform_0, window_bounds = array<i64: 512, 128>}, {pipeline_mode = #tpu.pipeline_mode<synchronous>, transform_indices = @transform_1, window_bounds = array<i64: 128, 256>}, {pipeline_mode = #tpu.pipeline_mode<synchronous>, transform_indices = @transform_2, window_bounds = array<i64: 256, 1>}, {pipeline_mode = #tpu.pipeline_mode<synchronous>, transform_indices = @transform_3, window_bounds = array<i64: 256, 1>}, {transform_indices = @transform_4, window_bounds = array<i64: 512, 128>}, {transform_indices = @transform_5, window_bounds = array<i64: 512, 128>}, {transform_indices = @transform_6, window_bounds = array<i64: 512, 1>}, {transform_indices = @transform_7, window_bounds = array<i64: 512, 1>}]} {
    %get3A = arith.constant 0 : index
    %get3A_0 = arith.constant 0 : index
    %get3A_1 = vector.load %arg1[%get3A, %get3A_0] : memref<512x128xf32, #tpu.memory_space<vmem>>, vector<512x128xf32>
    %get3A_2 = arith.constant 0 : index
    %get3A_3 = arith.constant 0 : index
    %get3A_4 = vector.load %arg2[%get3A_2, %get3A_3] : memref<128x256xf32, #tpu.memory_space<vmem>>, vector<128x256xf32>
    %dot_general3A = arith.constant dense<0.000000e+00> : vector<512x256xf32>
    %dot_general3A_5 = tpu.matmul %get3A_1, %get3A_4, %dot_general3A {dimension_numbers = #tpu.dot_dimension_numbers<[1], [0], [0], [1], [0, 0, 1, 1], [], []>, transpose_lhs_hint = false} : vector<512x128xf32>, vector<128x256xf32>, vector<512x256xf32> -> vector<512x256xf32>
    %slice3A = vector.extract_strided_slice %dot_general3A_5 {offsets = [0, 0], sizes = [512, 128], strides = [1, 1]} : vector<512x256xf32> to vector<512x128xf32>
    %swap3A = arith.constant 0 : index
    %swap3A_6 = arith.constant 0 : index
    %swap3A_7 = vector.load %arg5[%swap3A, %swap3A_6] : memref<512x128xf32, #tpu.memory_space<vmem>>, vector<512x128xf32>
    tpu.vector_store %arg5[%swap3A, %swap3A_6], %slice3A {strides = array<i32>} : memref<512x128xf32, #tpu.memory_space<vmem>>, vector<512x128xf32>,
    %slice3A_8 = vector.extract_strided_slice %dot_general3A_5 {offsets = [0, 128], sizes = [512, 128], strides = [1, 1]} : vector<512x256xf32> to vector<512x128xf32>
    %swap3A_9 = arith.constant 0 : index
    %swap3A_10 = arith.constant 0 : index
    %swap3A_11 = vector.load %arg6[%swap3A_9, %swap3A_10] : memref<512x128xf32, #tpu.memory_space<vmem>>, vector<512x128xf32>
    tpu.vector_store %arg6[%swap3A_9, %swap3A_10], %slice3A_8 {strides = array<i32>} : memref<512x128xf32, #tpu.memory_space<vmem>>, vector<512x128xf32>,
    %get3A_12 = arith.constant 0 : index
    %get3A_13 = arith.constant 0 : index
    %get3A_14 = vector.load %arg3[%get3A_12, %get3A_13] : memref<256x1xf32, #tpu.memory_space<vmem>>, vector<256x1xf32>
    %dot_general3A_15 = arith.constant dense<0.000000e+00> : vector<512x1xf32>
    %dot_general3A_16 = tpu.matmul %dot_general3A_5, %get3A_14, %dot_general3A_15 {dimension_numbers = #tpu.dot_dimension_numbers<[1], [0], [0], [1], [0, 0, 1, 1], [], []>, transpose_lhs_hint = false} : vector<512x256xf32>, vector<256x1xf32>, vector<512x1xf32> -> vector<512x1xf32>
    %swap3A_17 = arith.constant 0 : index
    %swap3A_18 = arith.constant 0 : index
    %swap3A_19 = vector.load %arg7[%swap3A_17, %swap3A_18] : memref<512x1xf32, #tpu.memory_space<vmem>>, vector<512x1xf32>
    tpu.vector_store %arg7[%swap3A_17, %swap3A_18], %dot_general3A_16 {strides = array<i32>} : memref<512x1xf32, #tpu.memory_space<vmem>>, vector<512x1xf32>,
    %get3A_20 = arith.constant 0 : index
    %get3A_21 = arith.constant 0 : index
    %get3A_22 = vector.load %arg4[%get3A_20, %get3A_21] : memref<256x1xf32, #tpu.memory_space<vmem>>, vector<256x1xf32>
    %dot_general3A_23 = arith.constant dense<0.000000e+00> : vector<512x1xf32>
    %dot_general3A_24 = tpu.matmul %dot_general3A_5, %get3A_22, %dot_general3A_23 {dimension_numbers = #tpu.dot_dimension_numbers<[1], [0], [0], [1], [0, 0, 1, 1], [], []>, transpose_lhs_hint = false} : vector<512x256xf32>, vector<256x1xf32>, vector<512x1xf32> -> vector<512x1xf32>
    %swap3A_25 = arith.constant 0 : index
    %swap3A_26 = arith.constant 0 : index
    %swap3A_27 = vector.load %arg8[%swap3A_25, %swap3A_26] : memref<512x1xf32, #tpu.memory_space<vmem>>, vector<512x1xf32>
    tpu.vector_store %arg8[%swap3A_25, %swap3A_26], %dot_general3A_24 {strides = array<i32>} : memref<512x1xf32, #tpu.memory_space<vmem>>, vector<512x1xf32>,
    return
  }
  func.func @transform_0(%arg0: i32) -> (i32, i32) {
    %c0_i32 = arith.constant 0 : i32
    %c0_i32_0 = arith.constant 0 : i32
    return %arg0, %c0_i32 : i32, i32
  }
  func.func @transform_1(%arg0: i32) -> (i32, i32) {
    %c0_i32 = arith.constant 0 : i32
    %c0_i32_0 = arith.constant 0 : i32
    %c0_i32_1 = arith.constant 0 : i32
    return %c0_i32, %c0_i32_0 : i32, i32
  }
  func.func @transform_2(%arg0: i32) -> (i32, i32) {
    %c0_i32 = arith.constant 0 : i32
    %c0_i32_0 = arith.constant 0 : i32
    %c0_i32_1 = arith.constant 0 : i32
    return %c0_i32, %c0_i32_0 : i32, i32
  }
  func.func @transform_3(%arg0: i32) -> (i32, i32) {
    %c0_i32 = arith.constant 0 : i32
    %c0_i32_0 = arith.constant 0 : i32
    %c0_i32_1 = arith.constant 0 : i32
    return %c0_i32, %c0_i32_0 : i32, i32
  }
  func.func @transform_4(%arg0: i32) -> (i32, i32) {
    %c0_i32 = arith.constant 0 : i32
    %c0_i32_0 = arith.constant 0 : i32
    return %arg0, %c0_i32 : i32, i32
  }
  func.func @transform_5(%arg0: i32) -> (i32, i32) {
    %c0_i32 = arith.constant 0 : i32
    %c0_i32_0 = arith.constant 0 : i32
    return %arg0, %c0_i32 : i32, i32
  }
  func.func @transform_6(%arg0: i32) -> (i32, i32) {
    %c0_i32 = arith.constant 0 : i32
    %c0_i32_0 = arith.constant 0 : i32
    return %arg0, %c0_i32 : i32, i32
  }
  func.func @transform_7(%arg0: i32) -> (i32, i32) {
    %c0_i32 = arith.constant 0 : i32
    %c0_i32_0 = arith.constant 0 : i32
    return %arg0, %c0_i32 : i32, i32
  }
}

module attributes {stable_mosaic.version = 14 : i64} {
  func.func @_tc2_body(%arg0: i32, %arg1: memref<512x128xf32, #tpu.memory_space<vmem>>, %arg2: memref<512x128xf32, #tpu.memory_space<vmem>>, %arg3: memref<512x1xf32, #tpu.memory_space<vmem>>, %arg4: memref<1x128xf32, #tpu.memory_space<vmem>>, %arg5: memref<1x128xf32, #tpu.memory_space<vmem>>, %arg6: memref<128x128xf32, #tpu.memory_space<vmem>>, %arg7: memref<128x128xf32, #tpu.memory_space<vmem>>, %arg8: memref<1x128xf32, #tpu.memory_space<vmem>>, %arg9: memref<128x128xf32, #tpu.memory_space<vmem>>, %arg10: memref<1x128xf32, #tpu.memory_space<vmem>>, %arg11: memref<512x128xf32, #tpu.memory_space<vmem>>) attributes {dimension_semantics = [#tpu.dimension_semantics<arbitrary>], iteration_bounds = array<i64: 20>, scalar_prefetch = 0 : i64, scratch_operands = 0 : i64, tpu.core_type = #tpu.core_type<tc>, window_params = [{transform_indices = @transform_0, window_bounds = array<i64: 512, 128>}, {transform_indices = @transform_1, window_bounds = array<i64: 512, 128>}, {transform_indices = @transform_2, window_bounds = array<i64: 512, 1>}, {pipeline_mode = #tpu.pipeline_mode<synchronous>, transform_indices = @transform_3, window_bounds = array<i64: 1, 128>}, {pipeline_mode = #tpu.pipeline_mode<synchronous>, transform_indices = @transform_4, window_bounds = array<i64: 1, 128>}, {pipeline_mode = #tpu.pipeline_mode<synchronous>, transform_indices = @transform_5, window_bounds = array<i64: 128, 128>}, {pipeline_mode = #tpu.pipeline_mode<synchronous>, transform_indices = @transform_6, window_bounds = array<i64: 128, 128>}, {pipeline_mode = #tpu.pipeline_mode<synchronous>, transform_indices = @transform_7, window_bounds = array<i64: 1, 128>}, {pipeline_mode = #tpu.pipeline_mode<synchronous>, transform_indices = @transform_8, window_bounds = array<i64: 128, 128>}, {pipeline_mode = #tpu.pipeline_mode<synchronous>, transform_indices = @transform_9, window_bounds = array<i64: 1, 128>}, {transform_indices = @transform_10, window_bounds = array<i64: 512, 128>}]} {
    %get3A = arith.constant 0 : index
    %get3A_0 = arith.constant 0 : index
    %get3A_1 = vector.load %arg3[%get3A, %get3A_0] : memref<512x1xf32, #tpu.memory_space<vmem>>, vector<512x1xf32>
    %add3A = arith.constant 1.000000e-16 : f32
    %add3A_2 = vector.broadcast %add3A : f32 to vector<512x1xf32>
    %add3A_3 = arith.addf %get3A_1, %add3A_2 : vector<512x1xf32>
    %get3A_4 = arith.constant 0 : index
    %get3A_5 = arith.constant 0 : index
    %get3A_6 = vector.load %arg1[%get3A_4, %get3A_5] : memref<512x128xf32, #tpu.memory_space<vmem>>, vector<512x128xf32>
    %div3A = vector.broadcast %add3A_3 : vector<512x1xf32> to vector<512x128xf32>
    %div3A_7 = arith.divf %get3A_6, %div3A : vector<512x128xf32>
    %get3A_8 = arith.constant 0 : index
    %get3A_9 = arith.constant 0 : index
    %get3A_10 = vector.load %arg4[%get3A_8, %get3A_9] : memref<1x128xf32, #tpu.memory_space<vmem>>, vector<1x128xf32>
    %add3A_11 = vector.broadcast %get3A_10 : vector<1x128xf32> to vector<512x128xf32>
    %add3A_12 = arith.addf %div3A_7, %add3A_11 : vector<512x128xf32>
    %max3A = arith.constant 0.000000e+00 : f32
    %max3A_13 = vector.broadcast %max3A : f32 to vector<512x128xf32>
    %max3A_14 = arith.maximumf %add3A_12, %max3A_13 : vector<512x128xf32>
    %get3A_15 = arith.constant 0 : index
    %get3A_16 = arith.constant 0 : index
    %get3A_17 = vector.load %arg2[%get3A_15, %get3A_16] : memref<512x128xf32, #tpu.memory_space<vmem>>, vector<512x128xf32>
    %div3A_18 = vector.broadcast %add3A_3 : vector<512x1xf32> to vector<512x128xf32>
    %div3A_19 = arith.divf %get3A_17, %div3A_18 : vector<512x128xf32>
    %get3A_20 = arith.constant 0 : index
    %get3A_21 = arith.constant 0 : index
    %get3A_22 = vector.load %arg5[%get3A_20, %get3A_21] : memref<1x128xf32, #tpu.memory_space<vmem>>, vector<1x128xf32>
    %add3A_23 = vector.broadcast %get3A_22 : vector<1x128xf32> to vector<512x128xf32>
    %add3A_24 = arith.addf %div3A_19, %add3A_23 : vector<512x128xf32>
    %max3A_25 = arith.constant 0.000000e+00 : f32
    %max3A_26 = vector.broadcast %max3A_25 : f32 to vector<512x128xf32>
    %max3A_27 = arith.maximumf %add3A_24, %max3A_26 : vector<512x128xf32>
    %get3A_28 = arith.constant 0 : index
    %get3A_29 = arith.constant 0 : index
    %get3A_30 = vector.load %arg6[%get3A_28, %get3A_29] : memref<128x128xf32, #tpu.memory_space<vmem>>, vector<128x128xf32>
    %dot_general3A = arith.constant dense<0.000000e+00> : vector<512x128xf32>
    %dot_general3A_31 = tpu.matmul %max3A_14, %get3A_30, %dot_general3A {dimension_numbers = #tpu.dot_dimension_numbers<[1], [0], [0], [1], [0, 0, 1, 1], [], []>, transpose_lhs_hint = false} : vector<512x128xf32>, vector<128x128xf32>, vector<512x128xf32> -> vector<512x128xf32>
    %get3A_32 = arith.constant 0 : index
    %get3A_33 = arith.constant 0 : index
    %get3A_34 = vector.load %arg7[%get3A_32, %get3A_33] : memref<128x128xf32, #tpu.memory_space<vmem>>, vector<128x128xf32>
    %dot_general3A_35 = arith.constant dense<0.000000e+00> : vector<512x128xf32>
    %dot_general3A_36 = tpu.matmul %max3A_27, %get3A_34, %dot_general3A_35 {dimension_numbers = #tpu.dot_dimension_numbers<[1], [0], [0], [1], [0, 0, 1, 1], [], []>, transpose_lhs_hint = false} : vector<512x128xf32>, vector<128x128xf32>, vector<512x128xf32> -> vector<512x128xf32>
    %add3A_37 = arith.addf %dot_general3A_31, %dot_general3A_36 : vector<512x128xf32>
    %get3A_38 = arith.constant 0 : index
    %get3A_39 = arith.constant 0 : index
    %get3A_40 = vector.load %arg8[%get3A_38, %get3A_39] : memref<1x128xf32, #tpu.memory_space<vmem>>, vector<1x128xf32>
    %add3A_41 = vector.broadcast %get3A_40 : vector<1x128xf32> to vector<512x128xf32>
    %add3A_42 = arith.addf %add3A_37, %add3A_41 : vector<512x128xf32>
    %max3A_43 = arith.constant 0.000000e+00 : f32
    %max3A_44 = vector.broadcast %max3A_43 : f32 to vector<512x128xf32>
    %max3A_45 = arith.maximumf %add3A_42, %max3A_44 : vector<512x128xf32>
    %get3A_46 = arith.constant 0 : index
    %get3A_47 = arith.constant 0 : index
    %get3A_48 = vector.load %arg9[%get3A_46, %get3A_47] : memref<128x128xf32, #tpu.memory_space<vmem>>, vector<128x128xf32>
    %dot_general3A_49 = arith.constant dense<0.000000e+00> : vector<512x128xf32>
    %dot_general3A_50 = tpu.matmul %max3A_45, %get3A_48, %dot_general3A_49 {dimension_numbers = #tpu.dot_dimension_numbers<[1], [0], [0], [1], [0, 0, 1, 1], [], []>, transpose_lhs_hint = false} : vector<512x128xf32>, vector<128x128xf32>, vector<512x128xf32> -> vector<512x128xf32>
    %get3A_51 = arith.constant 0 : index
    %get3A_52 = arith.constant 0 : index
    %get3A_53 = vector.load %arg10[%get3A_51, %get3A_52] : memref<1x128xf32, #tpu.memory_space<vmem>>, vector<1x128xf32>
    %add3A_54 = vector.broadcast %get3A_53 : vector<1x128xf32> to vector<512x128xf32>
    %add3A_55 = arith.addf %dot_general3A_50, %add3A_54 : vector<512x128xf32>
    %swap3A = arith.constant 0 : index
    %swap3A_56 = arith.constant 0 : index
    %swap3A_57 = vector.load %arg11[%swap3A, %swap3A_56] : memref<512x128xf32, #tpu.memory_space<vmem>>, vector<512x128xf32>
    tpu.vector_store %arg11[%swap3A, %swap3A_56], %add3A_55 {strides = array<i32>} : memref<512x128xf32, #tpu.memory_space<vmem>>, vector<512x128xf32>,
    return
  }
  func.func @transform_0(%arg0: i32) -> (i32, i32) {
    %c0_i32 = arith.constant 0 : i32
    %c0_i32_0 = arith.constant 0 : i32
    return %arg0, %c0_i32 : i32, i32
  }
  func.func @transform_1(%arg0: i32) -> (i32, i32) {
    %c0_i32 = arith.constant 0 : i32
    %c0_i32_0 = arith.constant 0 : i32
    return %arg0, %c0_i32 : i32, i32
  }
  func.func @transform_2(%arg0: i32) -> (i32, i32) {
    %c0_i32 = arith.constant 0 : i32
    %c0_i32_0 = arith.constant 0 : i32
    return %arg0, %c0_i32 : i32, i32
  }
  func.func @transform_3(%arg0: i32) -> (i32, i32) {
    %c0_i32 = arith.constant 0 : i32
    %c0_i32_0 = arith.constant 0 : i32
    %c0_i32_1 = arith.constant 0 : i32
    return %c0_i32, %c0_i32_0 : i32, i32
  }
  func.func @transform_4(%arg0: i32) -> (i32, i32) {
    %c0_i32 = arith.constant 0 : i32
    %c0_i32_0 = arith.constant 0 : i32
    %c0_i32_1 = arith.constant 0 : i32
    return %c0_i32, %c0_i32_0 : i32, i32
  }
  func.func @transform_5(%arg0: i32) -> (i32, i32) {
    %c0_i32 = arith.constant 0 : i32
    %c0_i32_0 = arith.constant 0 : i32
    %c0_i32_1 = arith.constant 0 : i32
    return %c0_i32, %c0_i32_0 : i32, i32
  }
  func.func @transform_6(%arg0: i32) -> (i32, i32) {
    %c0_i32 = arith.constant 0 : i32
    %c0_i32_0 = arith.constant 0 : i32
    %c0_i32_1 = arith.constant 0 : i32
    return %c0_i32, %c0_i32_0 : i32, i32
  }
  func.func @transform_7(%arg0: i32) -> (i32, i32) {
    %c0_i32 = arith.constant 0 : i32
    %c0_i32_0 = arith.constant 0 : i32
    %c0_i32_1 = arith.constant 0 : i32
    return %c0_i32, %c0_i32_0 : i32, i32
  }
  func.func @transform_8(%arg0: i32) -> (i32, i32) {
    %c0_i32 = arith.constant 0 : i32
    %c0_i32_0 = arith.constant 0 : i32
    %c0_i32_1 = arith.constant 0 : i32
    return %c0_i32, %c0_i32_0 : i32, i32
  }
  func.func @transform_9(%arg0: i32) -> (i32, i32) {
    %c0_i32 = arith.constant 0 : i32
    %c0_i32_0 = arith.constant 0 : i32
    %c0_i32_1 = arith.constant 0 : i32
    return %c0_i32, %c0_i32_0 : i32, i32
  }
  func.func @transform_10(%arg0: i32) -> (i32, i32) {
    %c0_i32 = arith.constant 0 : i32
    %c0_i32_0 = arith.constant 0 : i32
    return %arg0, %c0_i32 : i32, i32
  }
}

</mosaic_0001>

<sc_bundles>
// kernel: kernel.5.cloned.1.call-start
scs
__scs_entry_jumppad:
0x0: {  	(pc) =	sbr.rel $0x88, $3  }
0x1: {  	(tag) =	ssettag $0x0;
	lr =	simm.s32 $0x1  }
0x2: {  	[smem:$0x3F97] =	sst lr;
	_ =	strace $0xD0000000  }
0x3: {  	_ = 	snop  }
0x4: {  	_ = 	snop  }
0x5: {  	_ = 	snop  }
0x6: {  	_ = 	snop  }
0x7: {  	_ = 	snop  }
__scs_overlays_trampoline_lowered:
0x8: {  	[smem:$0x3FA6] =	sst s0  }
0x9: {  	[smem:$0x3FA7] =	sst s1  }
0xa: {  	[smem:$0x3FA8] =	sst s2  }
0xb: {  	[smem:$0x3FA9] =	sst s3  }
0xc: {  	[smem:$0x3FAA] =	sst s4  }
0xd: {  	[smem:$0x3FAB] =	sst s5  }
0xe: {  	[smem:$0x3FAC] =	sst s6  }
0xf: {  	[smem:$0x3FAD] =	sst s7  }
0x10: {  	[smem:$0x3FAE] =	sst s8  }
0x11: {  	[smem:$0x3FAF] =	sst s9;
	s0 =	simm.s32 @!p0 $0x0  }
0x12: {  	s1 =	sld [smem:$0x3F95];
	s0 =	simm.s32 @p0 $0x1  }
0x13: {  	[smem:$0x3FB0] =	sst s0;
	s0 =	simm.s32 @!p1 $0x0  }
0x14: {  	s2 =	sld [smem:$0x3F94];
	s0 =	simm.s32 @p1 $0x1  }
0x15: {  	[smem:$0x3FB1] =	sst s0;
	s0 =	simm.s32 @!p2 $0x0  }
0x16: {  	s3 =	sld [smem:$0x3FDB];
	s0 =	simm.s32 @p2 $0x1  }
0x17: {  	s4 =	simm.s32 $0x1BF5;
	[smem:$0x3FB3] =	sst s0  }
0x18: {  	s0 =	sld [smem:$0x3F96];
	_ =	swait.ge [sflag:s4], $0x0  }
0x19: {  	s7 =	sld [smem:$0x3F97]  }
0x1a: {  	s8 =	sadd.s32 $0xFFFFE003, lr  }
0x1b: {  	s9 =	sadd.s32 $0xFFFFFEF7, lr;
	s5 =	simm.s32 $0xFFFFFFFF;
	p2 =	slt.u32 s8, $0xFFFFF086  }
0x1c: {  	p1 =	slt.u32 s9, $0xF7A;
	s5 =	simm.s32 @!p2 $0x0  }
0x1d: {  	s5 =	simm.s32 @p1 $0x1;
	p0 =	seq.s32 s7, s2  }
0x1e: {  	s7 =	smul.u32 @!p0 $0xF7A, s2;
	p2 =	seq.s32 @!p0 s5, $0x0  }
0x1f: {  	s9 =	smul.u32 $0xF7A, s1;
	s8 =	simm.s32 @!p0 $0x1BF5;
	p2 =	por !p2, p0  }
0x20: {  	[sflag:s8] =	ssyncset.s32 @!p0 $0xFFFFF086;
	s6 =	sadd.s32 @!p0 s3, s7;
	s7 =	simm.s32 @!p0 $0x108  }
0x21: {  	s3 =	sadd.s32 s3, s9;
	s6 =	sadd.s32 @!p0 $0x88, s6;
	s7 =	simm.s32 @p2 $0x1082  }
0x22: {  	[simem:s7], [sflag:s8] =	dma.local @!p0 [hbm:s6], $0xF7A  }
0x23: {  	s9 =	sor.u32 $0xD0000000, s2;
	s6 =	simm.s32 $0x108;
	_ =	swait.ge @!p0 [sflag:s8], $0x0  }
0x24: {  	s3 =	sadd.s32 $0x88, s3;
	s6 =	simm.s32 @!p1 $0x1082;
	[sflag:s4] =	ssyncset.s32 $0xFFFFF086  }
0x25: {  	[simem:s6], [sflag:s4] =	dma.local [hbm:s3], $0xF7A  }
0x26: {  	[smem:$0x3F97] =	sst s1;
	(tag) =	ssettag s2;
	_ =	strace s9  }
0x27: {  	s1 =	sld [smem:$0x3FA7]  }
0x28: {  	s2 =	sld [smem:$0x3FA8]  }
0x29: {  	s4 =	sld [smem:$0x3FAA]  }
0x2a: {  	p0 =	seq.s32 s5, $0x0;
	s5 =	sld [smem:$0x3FAB]  }
0x2b: {  	s6 =	sld [smem:$0x3FAC]  }
0x2c: {  	s7 =	sld [smem:$0x3FAD]  }
0x2d: {  	s3 =	simm.s32 $0x108;
	s8 =	sld [smem:$0x3FAE]  }
0x2e: {  	s3 =	simm.s32 @!p0 $0x1082;
	s9 =	sld [smem:$0x3FAF]  }
0x2f: {  	lr =	sadd.s32 s0, s3;
	s0 =	sld [smem:$0x3FA6]  }
0x30: {  	s3 =	sld [smem:$0x3FA9]  }
0x31: {  	[smem:$0x3FB2] =	sst s10  }
0x32: {  	s10 =	sld [smem:$0x3FB0];
	_ =	sdelay $0x3  }
0x33: {  	p0 =	seq.s32 s10, $0x1;
	s10 =	sld [smem:$0x3FB2];
	_ =	sdelay $0x3  }
0x34: {  	[smem:$0x3FB2] =	sst s10  }
0x35: {  	s10 =	sld [smem:$0x3FB1];
	_ =	sdelay $0x3  }
0x36: {  	p1 =	seq.s32 s10, $0x1;
	s10 =	sld [smem:$0x3FB2];
	_ =	sdelay $0x3  }
0x37: {  	[smem:$0x3FB2] =	sst s10  }
0x38: {  	s10 =	sld [smem:$0x3FB3]  }
0x39: {  	_ = 	snop;
	(pc) =	sbr.ind lr, $3  }
0x3a: {  	_ = 	snop  }
0x3b: {  	_ = 	snop  }
0x3c: {  	p2 =	seq.s32 s10, $0x1;
	s10 =	sld [smem:$0x3FB2]  }
0x3d: {  	_ =	shalt  }
0x3e: {  	_ =	shalt  }
0x3f: {  	_ =	shalt  }
0x40: {  	_ =	shalt  }
0x41: {  	_ =	shalt  }
0x42: {  	_ =	shalt  }
0x43: {  	_ =	shalt  }
0x44: {  	_ =	shalt  }
0x45: {  	_ =	shalt  }
0x46: {  	_ =	shalt  }
0x47: {  	_ =	shalt  }
0x48: {  	_ =	shalt  }
0x49: {  	_ =	shalt  }
0x4a: {  	_ =	shalt  }
0x4b: {  	_ =	shalt  }
0x4c: {  	_ =	shalt  }
0x4d: {  	_ =	shalt  }
0x4e: {  	_ =	shalt  }
0x4f: {  	_ =	shalt  }
0x50: {  	_ =	shalt  }
0x51: {  	_ =	shalt  }
0x52: {  	_ =	shalt  }
0x53: {  	_ =	shalt  }
0x54: {  	_ =	shalt  }
0x55: {  	_ =	shalt  }
0x56: {  	_ =	shalt  }
0x57: {  	_ =	shalt  }
0x58: {  	_ =	shalt  }
0x59: {  	_ =	shalt  }
0x5a: {  	_ =	shalt  }
0x5b: {  	_ =	shalt  }
0x5c: {  	_ =	shalt  }
0x5d: {  	_ =	shalt  }
0x5e: {  	_ =	shalt  }
0x5f: {  	_ =	shalt  }
0x60: {  	_ =	shalt  }
0x61: {  	_ =	shalt  }
0x62: {  	_ =	shalt  }
0x63: {  	_ =	shalt  }
0x64: {  	_ =	shalt  }
0x65: {  	_ =	shalt  }
0x66: {  	_ =	shalt  }
0x67: {  	_ =	shalt  }
0x68: {  	_ =	shalt  }
0x69: {  	_ =	shalt  }
0x6a: {  	_ =	shalt  }
0x6b: {  	_ =	shalt  }
0x6c: {  	_ =	shalt  }
0x6d: {  	_ =	shalt  }
0x6e: {  	_ =	shalt  }
0x6f: {  	_ =	shalt  }
0x70: {  	_ =	shalt  }
0x71: {  	_ =	shalt  }
0x72: {  	_ =	shalt  }
0x73: {  	_ =	shalt  }
0x74: {  	_ =	shalt  }
0x75: {  	_ =	shalt  }
0x76: {  	_ =	shalt  }
0x77: {  	_ =	shalt  }
0x78: {  	_ =	shalt  }
0x79: {  	_ =	shalt  }
0x7a: {  	_ =	shalt  }
0x7b: {  	_ =	shalt  }
0x7c: {  	_ =	shalt  }
0x7d: {  	_ =	shalt  }
0x7e: {  	_ =	shalt  }
0x7f: {  	_ =	shalt  }
0x80: {  	_ =	shalt  }
0x81: {  	_ =	shalt  }
0x82: {  	_ =	shalt  }
0x83: {  	_ =	shalt  }
0x84: {  	_ =	shalt  }
0x85: {  	_ =	shalt  }
0x86: {  	_ =	shalt  }
0x87: {  	_ =	shalt  }
.Lfunc_end0:
.L_simem_size_0:
called_computation_lowered:
.L_overlay_start_0:
0x88: {  	s2 =	sld [smem:$0x3FD9]  }
0x89: {  	s3 =	sld [smem:$0x3FFE];
	_ =	sdelay $0x1  }
0x8a: {  	s1 =	srdreg.scid  }
0x8b: {  	s0 =	sand.u32 $0x1, s1  }
0x8c: {  	s17 =	sshll.u32 s0, $0xA;
	s2 =	sadd.s32 s3, s2  }
0x8d: {  	s2 =	sadd.s32 s2, s17  }
0x8e: {  	[smem:$0x3FBE] =	sst s2  }
0x8f: {  	_ = 	snop  }
0x90: {  	s2 =	sld [smem:$0x3FD0];
	(tm) =	ssettm $0x1  }
0x91: {  	s18 =	sld [smem:$0x3FFB];
	_ =	sdelay $0x3  }
0x92: {  	_ =	strace s18  }
0x93: {  	s3 =	sld [smem:$0x3FFC];
	_ =	sdelay $0x3  }
0x94: {  	_ =	strace s3  }
0x95: {  	s3 =	sld [smem:$0x3FFD];
	_ =	sdelay $0x3  }
0x96: {  	_ =	strace s3  }
0x97: {  	_ =	strace $0x8FFFFFFF  }
0x98: {  	s19 =	sld [smem:$0x3FDB];
	_ =	sdelay $0x1  }
0x99: {  	s4 =	simm.s32 $_scs_section_size  }
0x9a: {  	s5 =	simm.s32 $_size__tile_overlayer_lowered;
	s6 =	simm.s32 $_tile_overlayer_lowered  }
0x9b: {  	s22 =	simm.s32 $0x1BFF;
	s21 =	sshll.u32 s6, $0x1;
	s3 =	sadd.s32 s4, s19  }
0x9c: {  	s7 =	simm.s32 $0x0;
	s20 =	sshll.u32 s5, $0x1;
	s5 =	sadd.s32 s21, s3  }
0x9d: {  	[timem:s7], [sflag:s22] =	dma.local [hbm:s5], s20  }
0x9e: {  	_ =	swait.ge [sflag:s22], s20  }
0x9f: {  	s4 =	ssub.s32 $0x0, s20;
	[sflag:s22] =	ssyncset.done $0x0  }
0xa0: {  	[sflag:s22] =	ssyncadd.s32 s4;
	_ =	sdelay $0x1  }
0xa1: {  	s23 =	simm.s32 $0x1B8B  }
0xa2: {  	_ =	swait.ge [sflag:s23], $0x1  }
0xa3: {  	[sflag:s23] =	ssyncset.done $0x0  }
0xa4: {  	s25 =	simm.s32 $0x1B8E;
	s24 =	sld [smem:$0x3FFE];
	[sflag:s23] =	ssyncadd.s32 $0xFFFFFFFF  }
0xa5: {  	s26 =	simm.s32 $execute0_lowered;
	[smem:$0x3FD2] =	sst s25  }
0xa6: {  	s5 =	sshll.u32 s26, $0x1;
	_ =	strace $0x80000046;
	[dreg:$0x1] =	wrdreg $0xFFFFFFFF  }
0xa7: {  	s28 =	simm.s32 $_size_execute0_lowered;
	s3 =	sadd.s32 s3, s5;
	[dreg:$0x0] =	wrdreg $0x0  }
0xa8: {  	s5 =	sshll.u32 s28, $0x1;
	[dreg:$0x2] =	wrdreg s3  }
0xa9: {  	[dreg:$0x3] =	wrdreg s5  }
0xaa: {  	[dreg:$0x4] =	wrdreg $0xC0  }
0xab: {  	_ =	task [dreg:s7], $0x5FFFF  }
0xac: {  	[dreg:$0x1] =	wrdreg $0xFFFFFFFF  }
0xad: {  	[dreg:$0x0] =	wrdreg $0x60  }
0xae: {  	[dreg:$0x2] =	wrdreg s24  }
0xaf: {  	[dreg:$0x3] =	wrdreg s2  }
0xb0: {  	[dreg:$0x4] =	wrdreg $0x87000  }
0xb1: {  	[dreg:$0x5] =	wrdreg $0x1C7000  }
0xb2: {  	[dreg:$0x6] =	wrdreg $0x9  }
0xb3: {  	_ =	task.clear_ibuf [dreg:s7], $0x7FFFF;
	_ =	strace $0x90000046  }
0xb4: {  	s29 =	simm.s32 $0x9;
	_ =	strace $0x80000048  }
0xb5: {  	_ =	swait.ge [sflag:s29], $0x1  }
0xb6: {  	[sflag:s29] =	ssyncadd.s32 $0xFFFFFFFF  }
0xb7: {  	_ =	strace $0x90000048  }
0xb8: {  	_ =	sfence  }
0xb9: {  	s30 =	sld [smem:$0x0];
	_ =	sdelay $0x2  }
0xba: {  	s31 =	sshll.u32 s1, $0xD;
	s1 =	sshrl.u32 s1, $0x2  }
0xbb: {  	s3 =	sand.u32 $0x4000, s31;
	s1 =	sadd.s32 s1, s30  }
0xbc: {  	s0 =	sor.u32 s3, s0;
	s1 =	sshll.u32 s1, $0x11  }
0xbd: {  	s0 =	sor.u32 s1, s0  }
0xbe: {  	s0 =	sadd.s32 $0x8F2B, s0  }
0xbf: {  	[sflag:s0] =	ssyncadd.remote.s32 $0x1  }
0xc0: {  	_ =	sfence.sel $0xFFFF  }
0xc1: {  	[dreg:$0x0] =	wrdreg $0xFFFFFFFF;
	(pc) =	sbr.abs _section_cstart, $3  }
0xc2: {  	[dreg:$0x1] =	wrdreg $0xFFFFFFFF  }
0xc3: {  	_ =	task.clear_ibuf [dreg:s7], $0x2FFFF;
	_ =	strace $0x9FFFFFFF  }
0xc4: {  	(tm) =	ssettm $0x7FFFFFFF  }
0xc5: {  	_ =	shalt  }
tec
execute0_lowered:
.L_overlay_start_1:
0x0: {  	(tag) =	ssettag $0x1  }
0x1: {  	s0 =	rddreg [dreg:$0x0]  }
0x2: {  	s1 =	rddreg [dreg:$0x1]  }
0x3: {  	s2 =	rddreg [dreg:$0x2]  }
0x4: {  	s3 =	rddreg [dreg:$0x3]  }
0x5: {  	s15 =	stileid.u32;
	s6 =	simm.s32 $0x0;
	s5 =	srdreg.scid  }
0x6: {  	s28 =	simm.s32 $0x200;
	s29 =	simm.s32 $0x80;
	s4 =	smul.u32 $0x580, s15  }
0x7: {  	s30 =	simm.s32 $0x1;
	s31 =	simm.s32 $0x8;
	s11 =	smul.u32 $0x50000, s15  }
0x8: {  	[smem:$0x7FF] =	sst s6;
	s10 =	sand.u32 $0x1, s5;
	s13 =	smul.u32 $0x280, s15  }
0x9: {  	s5 =	sadd.s32 $0x50600, s0;
	s6 =	sadd.s32 $0x50C00, s0;
	s18 =	smul.u32 $0xA00, s15  }
0xa: {  	_ =	strace $0x80000047;
	s7 =	smul.u32 $0x28000, s10;
	s8 =	ssub.s32 $0x2, s10  }
0xb: {  	p0 =	seq.s32 s10, $0x0;
	s10 =	sshll.u32 s10, $0x4;
	s4 =	sadd.s32 s4, s0  }
0xc: {  	s16 =	sshrl.u32 s8, $0x1;
	s17 =	sshrl.u32 s11, $0x2;
	s11 =	sshrl.u32 s18, $0x2  }
0xd: {  	s1 =	sadd.s32 s1, s10;
	s19 =	sadd.s32 $0x80, s13;
	s20 =	sadd.s32 $0x100, s13  }
0xe: {  	s24 =	sadd.s32 $0x180, s13;
	s9 =	sadd.s32 s7, s0;
	s12 =	ssub.s32 s8, s16  }
0xf: {  	s7 =	sadd.s32 $0x51200, s4;
	s8 =	sadd.s32 $0x56A00, s4;
	s4 =	smul.u32 $0x2800, s15  }
0x10: {  	s10 =	sadd.s32 s11, s3;
	s11 =	smul.u32 $0xA0, s15;
	s16 =	sadd.s32 s13, s3  }
0x11: {  	s21 =	sshll.u32 s19, $0x7;
	s23 =	sadd.s32 s20, s3;
	s15 =	simm.s32 $0x600  }
0x12: {  	s25 =	sshll.u32 s24, $0x7;
	s13 =	sadd.s32 $0x200, s13;
	s18 =	sadd.s32 s24, s3  }
0x13: {  	s24 =	simm.s32 $0x700;
	s14 =	sadd.s32 $0x5C200, s9;
	s9 =	sadd.s32 s17, s2  }
0x14: {  	s12 =	smax.u32 s12, $0x1;
	[dreg:$0x6] =	wrdreg s16;
	s17 =	sshll.u32 s20, $0x7  }
0x15: {  	s16 =	sadd.s32 s21, s2;
	[dreg:$0xa] =	wrdreg s23;
	s15 =	simm.s32 @!p0 $0x28600  }
0x16: {  	s26 =	sshll.u32 s13, $0x7;
	s20 =	sadd.s32 s13, s3;
	[dreg:$0x5] =	wrdreg s12  }
0x17: {  	[dreg:$0x7] =	wrdreg s16;
	s12 =	sadd.s32 s19, s3;
	s22 =	sadd.s32 s17, s2  }
0x18: {  	v0 =	vlaneseq.u32;
	s16 =	sadd.s32 s25, s2;
	s17 =	sadd.s32 s15, s0;
	s19 =	sadd.s32 s26, s2  }
0x19: {  	v1 =	vmul.u32 $0xFFFFFFFF, v0;
	s21 =	sadd.s32 s4, s14;
	s23 =	sadd.s32 s11, s1;
	[dreg:$0x8] =	wrdreg s12  }
0x1a: {  	s25 =	sshrl.u32 s10, $0x3;
	s26 =	simm.s32 $0x9;
	[dreg:$0x9] =	wrdreg s22  }
0x1b: {  	v0 =	vimm.f32 $0.0e+00;
	v1 =	vadd.s32 $0x2981, v1;
	s0 =	simm.s32 $0x0;
	[dreg:$0xb] =	wrdreg s16;
	s22 =	simm.s32 $0x600  }
.LBB2_1:
0x1c: {  	s4 =	simm.s32 $0x0  }
0x1d: {  	s1 =	sand.u32 $0xFE00, s4  }
0x1e: {  	s4 =	sand.u32 $0x70, s4;
	s10 =	sshrl.u32 s1, $0x2  }
0x1f: {  	s1 =	simm.s32 $0x40;
	s10 =	sor.u32 s4, s10;
	s4 =	simm.s32 $0x0  }
.LBB2_2:
0x20: {  	p0 =	sne.s32 s1, $0xFFC0  }
0x21: {  	[tilespmem:s10+$0x700] =	vst v0;
	s4 =	sadd.s32 $0x10, s4;
	s10 =	smov.u32 s1;
	s1 =	sadd.s32 $0x40, s1  }
.Ltmp0:
0x22: {  	(pc) =	sbr.rel @p0 .LBB2_2-.Ltmp0, $4  }
0x23: {  	_ = 	snop  }
0x24: {  	s10 =	sand.u32 $0xFE00, s10  }
0x25: {  	s11 =	sand.u32 $0x70, s4;
	s10 =	sshrl.u32 s10, $0x2  }
0x26: {  	s10 =	sor.u32 s11, s10  }
0x27: {  	[tilespmem:s10+$0x700] =	vst v0  }
0x28: {  	[tilespmem:$0x600] =	vst v0  }
0x29: {  	[tilespmem:$0x610] =	vst v0  }
0x2a: {  	[tilespmem:$0x620] =	vst v0  }
0x2b: {  	[tilespmem:$0x630] =	vst v0  }
0x2c: {  	[tilespmem:$0x640] =	vst v0  }
0x2d: {  	[tilespmem:$0x650] =	vst v0  }
0x2e: {  	[tilespmem:$0x660] =	vst v0  }
0x2f: {  	[tilespmem:$0x670] =	vst v0  }
0x30: {  	[spmem:s9] =	stream.linear.scatter [tilespmem:s24], [sflag:$0x9], $0x4000, $0x38;
	[tilespmem:$0x1C980] =	vst v63  }
0x31: {  	_ =	swait.ge [sflag:s26], $0x4000  }
0x32: {  	[sflag:s26] =	ssyncset.done $0x0  }
0x33: {  	s1 =	rddreg [dreg:$0x6];
	[sflag:s26] =	ssyncadd.s32 $0xFFFFC000  }
0x34: {  	[spmem:s1] =	stream.linear.scatter [tilespmem:s22], [sflag:$0x9], $0x80, $0x38;
	[tilespmem:$0x1C980] =	vst v63  }
0x35: {  	_ =	swait.ge [sflag:s26], $0x80  }
0x36: {  	[sflag:s26] =	ssyncset.done $0x0  }
0x37: {  	s4 =	rddreg [dreg:$0x7];
	[sflag:s26] =	ssyncadd.s32 $0xFFFFFF80  }
0x38: {  	[spmem:s4] =	stream.linear.scatter [tilespmem:s24], [sflag:$0x9], $0x4000, $0x38;
	[tilespmem:$0x1C980] =	vst v63  }
0x39: {  	_ =	swait.ge [sflag:s26], $0x4000  }
0x3a: {  	[sflag:s26] =	ssyncset.done $0x0  }
0x3b: {  	s10 =	rddreg [dreg:$0x8];
	[sflag:s26] =	ssyncadd.s32 $0xFFFFC000  }
0x3c: {  	[spmem:s10] =	stream.linear.scatter [tilespmem:s22], [sflag:$0x9], $0x80, $0x38;
	[tilespmem:$0x1C980] =	vst v63  }
0x3d: {  	_ =	swait.ge [sflag:s26], $0x80  }
0x3e: {  	[sflag:s26] =	ssyncset.done $0x0  }
0x3f: {  	s11 =	rddreg [dreg:$0x9];
	[sflag:s26] =	ssyncadd.s32 $0xFFFFFF80  }
0x40: {  	[spmem:s11] =	stream.linear.scatter [tilespmem:s24], [sflag:$0x9], $0x4000, $0x38;
	[tilespmem:$0x1C980] =	vst v63  }
0x41: {  	_ =	swait.ge [sflag:s26], $0x4000  }
0x42: {  	[sflag:s26] =	ssyncset.done $0x0  }
0x43: {  	s12 =	rddreg [dreg:$0xa];
	[sflag:s26] =	ssyncadd.s32 $0xFFFFC000  }
0x44: {  	[spmem:s12] =	stream.linear.scatter [tilespmem:s22], [sflag:$0x9], $0x80, $0x38;
	[tilespmem:$0x1C980] =	vst v63  }
0x45: {  	_ =	swait.ge [sflag:s26], $0x80  }
0x46: {  	[sflag:s26] =	ssyncset.done $0x0  }
0x47: {  	s13 =	rddreg [dreg:$0xb];
	[sflag:s26] =	ssyncadd.s32 $0xFFFFFF80  }
0x48: {  	[spmem:s13] =	stream.linear.scatter [tilespmem:s24], [sflag:$0x9], $0x4000, $0x38;
	[tilespmem:$0x1C980] =	vst v63  }
0x49: {  	_ =	swait.ge [sflag:s26], $0x4000  }
0x4a: {  	[sflag:s26] =	ssyncset.done $0x0  }
0x4b: {  	[sflag:s26] =	ssyncadd.s32 $0xFFFFC000  }
0x4c: {  	[spmem:s18] =	stream.linear.scatter [tilespmem:s22], [sflag:$0x9], $0x80, $0x38;
	[tilespmem:$0x1C980] =	vst v63  }
0x4d: {  	_ =	swait.ge [sflag:s26], $0x80  }
0x4e: {  	[sflag:s26] =	ssyncset.done $0x0  }
0x4f: {  	[sflag:s26] =	ssyncadd.s32 $0xFFFFFF80  }
0x50: {  	[spmem:s19] =	stream.linear.scatter [tilespmem:s24], [sflag:$0x9], $0x4000, $0x38;
	[tilespmem:$0x1C980] =	vst v63  }
0x51: {  	_ =	swait.ge [sflag:s26], $0x4000  }
0x52: {  	[sflag:s26] =	ssyncset.done $0x0  }
0x53: {  	[sflag:s26] =	ssyncadd.s32 $0xFFFFC000  }
0x54: {  	[spmem:s20] =	stream.linear.scatter [tilespmem:s22], [sflag:$0x9], $0x80, $0x38;
	[tilespmem:$0x1C980] =	vst v63  }
0x55: {  	_ =	swait.ge [sflag:s26], $0x80  }
0x56: {  	[sflag:s26] =	ssyncset.done $0x0  }
0x57: {  	[sflag:s26] =	ssyncadd.s32 $0xFFFFFF80  }
0x58: {  	s4 =	simm.s32 $0x0;
	[bflag:$0x0] =	sbarrier.arrive $0xFFFF  }
0x59: {  	[tilespmem:s4], [sflag:$0x1] =	stream.linear.gather [hbm4b:s7+s4], $0x80, $0x38;
	[tilespmem:$0x1C980] =	vst v63  }
0x5a: {  	_ = 	snop  }
0x5b: {  	[tilespmem:s28], [sflag:$0x1] =	stream.linear.gather [hbm4b:s8+s4], $0x80, $0x38;
	[tilespmem:$0x1C980] =	vst v63  }
0x5c: {  	s14 =	sadd.s32 $0x10, s7  }
0x5d: {  	[tilespmem:s29], [sflag:$0x2] =	stream.linear.gather [hbm4b:s14+s4], $0x80, $0x38;
	[tilespmem:$0x1C980] =	vst v63  }
0x5e: {  	s15 =	sadd.s32 $0x10, s8;
	s16 =	simm.s32 $0x280  }
0x5f: {  	[tilespmem:s16], [sflag:$0x2] =	stream.linear.gather [hbm4b:s15+s4], $0x80, $0x38;
	[tilespmem:$0x1C980] =	vst v63  }
0x60: {  	s11 =	sadd.s32 $0x20, s7;
	s12 =	simm.s32 $0x100  }
0x61: {  	[tilespmem:s12], [sflag:$0x3] =	stream.linear.gather [hbm4b:s11+s4], $0x80, $0x38;
	[tilespmem:$0x1C980] =	vst v63  }
0x62: {  	s13 =	sadd.s32 $0x20, s8;
	s14 =	simm.s32 $0x300  }
0x63: {  	[tilespmem:s14], [sflag:$0x3] =	stream.linear.gather [hbm4b:s13+s4], $0x80, $0x38;
	[tilespmem:$0x1C980] =	vst v63  }
0x64: {  	_ =	swait.ge [sflag:s30], $0x80  }
0x65: {  	[sflag:s30] =	ssyncset.done $0x0  }
0x66: {  	[sflag:s30] =	ssyncadd.s32 $0xFFFFFF80  }
0x67: {  	_ =	swait.ge [sflag:s30], $0x80  }
0x68: {  	[sflag:s30] =	ssyncset.done $0x0  }
0x69: {  	[sflag:s30] =	ssyncadd.s32 $0xFFFFFF80  }
0x6a: {  	[tilespmem:s24], [sflag:$0x5] =	stream.indirect.gather [hbm4b:s17+s29], $0x80, s4, s29, $0xb8;
	[tilespmem:$0x1C980] =	vst v63  }
0x6b: {  	s15 =	simm.s32 $0x400  }
0x6c: {  	[tilespmem:s15], [sflag:$0x5] =	stream.indirect.gather [hbm4b:s5+s29], $0x1, s4, s29, $0xb8;
	[tilespmem:$0x1C980] =	vst v63  }
0x6d: {  	s16 =	simm.s32 $0x500  }
0x6e: {  	[tilespmem:s16], [sflag:$0x5] =	stream.indirect.gather [hbm4b:s6+s29], $0x1, s28, s29, $0xb8;
	[tilespmem:$0x1C980] =	vst v63  }
.LBB2_4:
0x6f: {  	s1 =	sand.u32 $0x1, s4  }
0x70: {  	s10 =	sadd.s32 $0x5, s1  }
0x71: {  	_ =	swait.ge [sflag:s10], $0x4000  }
0x72: {  	[sflag:s10] =	ssyncset.done $0x0  }
0x73: {  	[sflag:s10] =	ssyncadd.s32 $0xFFFFC000  }
0x74: {  	_ =	swait.ge [sflag:s10], $0x80  }
0x75: {  	[sflag:s10] =	ssyncset.done $0x0  }
0x76: {  	[sflag:s10] =	ssyncadd.s32 $0xFFFFFF80  }
0x77: {  	_ =	swait.ge [sflag:s10], $0x80  }
0x78: {  	p0 =	seq.s32 s4, $0x0;
	s11 =	sxor.u32 $0x1, s1;
	[sflag:s10] =	ssyncset.done $0x0  }
0x79: {  	p1 =	seq.s32 @!p0 s4, $0x53;
	[sflag:s10] =	ssyncadd.s32 $0xFFFFFF80;
	s10 =	sadd.s32 @!p0 $0x7, s11  }
0x7a: {  	p1 =	por p0, !p1;
	_ =	swait.ge @!p0 [sflag:s10], $0x4000  }
.Ltmp1:
0x7b: {  	[sflag:s10] =	ssyncset.done @!p0 $0x0;
	(pc) =	sbr.rel @!p1 .LBB2_6-.Ltmp1, $4  }
0x7c: {  	[sflag:s10] =	ssyncadd.s32 @!p0 $0xFFFFC000  }
0x7d: {  	_ =	swait.ge @!p0 [sflag:s10], $0x80  }
0x7e: {  	[sflag:s10] =	ssyncset.done @!p0 $0x0  }
0x7f: {  	[sflag:s10] =	ssyncadd.s32 @!p0 $0xFFFFFF80;
	s10 =	simm.s32 @!p0 $0x54  }
0x80: {  	s10 =	sadd.s32 @!p0 $0x1, s4  }
0x81: {  	s10 =	simm.s32 @p0 $0x1  }
0x82: {  	s12 =	sand.u32 $0x3, s10  }
0x83: {  	s13 =	sadd.s32 $0x1, s12  }
0x84: {  	_ =	swait.ge [sflag:s13], $0x80  }
0x85: {  	[sflag:s13] =	ssyncset.done $0x0  }
0x86: {  	[sflag:s13] =	ssyncadd.s32 $0xFFFFFF80  }
0x87: {  	s14 =	sshll.u32 s11, $0xE;
	_ =	swait.ge [sflag:s13], $0x80  }
0x88: {  	s15 =	sshll.u32 s11, $0x7;
	s16 =	sor.u32 $0x700, s14;
	[sflag:s13] =	ssyncset.done $0x0  }
0x89: {  	s14 =	sadd.s32 $0x5, s11;
	s12 =	sshll.u32 s12, $0x7;
	[sflag:s13] =	ssyncadd.s32 $0xFFFFFF80  }
0x8a: {  	[tilespmem:s16], [sflag:s14] =	stream.indirect.gather [hbm4b:s17+s29], $0x80, s12, s29, $0xb8;
	[tilespmem:$0x1C980] =	vst v63  }
0x8b: {  	s16 =	sor.u32 $0x400, s15  }
0x8c: {  	[tilespmem:s16], [sflag:s14] =	stream.indirect.gather [hbm4b:s5+s29], $0x1, s12, s29, $0xb8;
	[tilespmem:$0x1C980] =	vst v63  }
0x8d: {  	s11 =	sor.u32 $0x500, s15;
	p0 =	sgt.u32 s4, $0x50;
	s12 =	sor.u32 $0x200, s12  }
0x8e: {  	[tilespmem:s11], [sflag:s14] =	stream.indirect.gather [hbm4b:s6+s29], $0x1, s12, s29, $0xb8;
	[tilespmem:$0x1C980] =	vst v63  }
0x8f: {  	s11 =	sadd.s32 @!p0 $0x3, s4  }
0x90: {  	s15 =	simm.s32 @!p0 $0x0;
	s12 =	sand.u32 @!p0 $0x3, s11;
	s11 =	sshll.u32 @!p0 s11, $0x4  }
0x91: {  	s13 =	sadd.s32 @!p0 $0x1, s12;
	s12 =	sshll.u32 @!p0 s12, $0x7;
	s14 =	sadd.s32 @!p0 s7, s11  }
0x92: {  	[tilespmem:s12], [sflag:s13] =	stream.linear.gather @!p0 [hbm4b:s14+s15], $0x80, $0x38;
	[tilespmem:$0x1C980] =	vst v63  }
0x93: {  	s11 =	sadd.s32 @!p0 s8, s11;
	s12 =	sor.u32 @!p0 $0x200, s12  }
0x94: {  	[tilespmem:s12], [sflag:s13] =	stream.linear.gather @!p0 [hbm4b:s11+s15], $0x80, $0x38;
	[tilespmem:$0x1C980] =	vst v63  }
.LBB2_6:
0x95: {  	s11 =	sshll.u32 s1, $0x7  }
0x96: {  	v2 =	vld [tilespmem:s11+$0x400]  }
0x97: {  	v3 =	vld [tilespmem:s11+$0x500]  }
0x98: {  	v4 =	vld [tilespmem:s11+$0x410]  }
0x99: {  	v5 =	vld [tilespmem:s11+$0x510]  }
0x9a: {  	v6 =	vld [tilespmem:s11+$0x420]  }
0x9b: {  	v7 =	vld [tilespmem:s11+$0x520]  }
0x9c: {  	v8 =	vld [tilespmem:s11+$0x530];
	v2 =	vadd.f32 v3, v2  }
0x9d: {  	v3 =	vld [tilespmem:s11+$0x430]  }
0x9e: {  	v9 =	vmul.f32 $2.000000030e-01, v2  }
0x9f: {  	v10 =	vld [tilespmem:s11+$0x440];
	vm0 =	vgt.f32 v2, $0.0e+00  }
0xa0: {  	v11 =	vld [tilespmem:s11+$0x540];
	v4 =	vadd.f32 v5, v4;
	v2 =	vsel vm0, v2, v9  }
0xa1: {  	v5 =	vld [tilespmem:s11+$0x450];
	v2 =	vmul.f32 $1.442695020e+00, v2  }
0xa2: {  	v6 =	vadd.f32 v7, v6;
	v7 =	vld [tilespmem:s11+$0x550];
	v9 =	vmul.f32 $2.000000030e-01, v4;
	v3 =	vadd.f32 v8, v3  }
0xa3: {  	v12 =	vld [tilespmem:s11+$0x560];
	vm13 =	vgt.f32 v4, $0.0e+00;
	(erf) = vpow2.f32 v2  }
0xa4: {  	v13 =	vld [tilespmem:s11+$0x470];
	v4 =	vsel vm13, v4, v9;
	v2 =	vmul.f32 $2.000000030e-01, v6;
	v9 =	vmul.f32 $2.000000030e-01, v3  }
0xa5: {  	vm14 =	vgt.f32 v6, $0.0e+00;
	v8 =	vld [tilespmem:s11+$0x460];
	v4 =	vmul.f32 $1.442695020e+00, v4;
	vm15 =	vgt.f32 v3, $0.0e+00  }
0xa6: {  	v2 =	vsel vm14, v6, v2;
	v6 =	vld [tilespmem:s11+$0x570];
	v3 =	vsel vm15, v3, v9  }
0xa7: {  	(erf) = vpow2.f32 v4;
	v4 =	vadd.f32 v7, v5;
	v2 =	vmul.f32 $1.442695020e+00, v2  }
0xa8: {  	v9 =	vadd.f32 v11, v10;
	v3 =	vmul.f32 $1.442695020e+00, v3  }
0xa9: {  	v5 =	vmul.f32 $2.000000030e-01, v4;
	(erf) = vpow2.f32 v2  }
0xaa: {  	v2 =	vmul.f32 $2.000000030e-01, v9;
	(erf) = vpow2.f32 v3;
	v3 =	vadd.f32 v12, v8  }
0xab: {  	vm4 =	vgt.f32 v9, $0.0e+00;
	vm5 =	vgt.f32 v4, $0.0e+00;
	v6 =	vadd.f32 v6, v13  }
0xac: {  	v4 =	vsel vm5, v4, v5;
	v2 =	vsel vm4, v9, v2;
	v7 =	vmul.f32 $2.000000030e-01, v3  }
0xad: {  	v2 =	vmul.f32 $1.442695020e+00, v2;
	vm6 =	vgt.f32 v3, $0.0e+00;
	v5 =	vmul.f32 $2.000000030e-01, v6  }
0xae: {  	v4 =	vmul.f32 $1.442695020e+00, v4;
	vm7 =	vgt.f32 v6, $0.0e+00;
	v3 =	vsel vm6, v3, v7  }
0xaf: {  	(erf) = vpow2.f32 v2;
	v2 =	vmul.f32 $1.442695020e+00, v3;
	v3 =	vsel vm7, v6, v5  }
0xb0: {  	(erf) = vpow2.f32 v4;
	v3 =	vmul.f32 $1.442695020e+00, v3  }
0xb1: {  	(erf) = vpow2.f32 v2  }
0xb2: {  	s4 =	sshll.u32 s4, $0x7;
	(erf) = vpow2.f32 v3  }
0xb3: {  	s12 =	sor.u32 $0x10, s4;
	v2 =	vmov s4  }
0xb4: {  	s14 =	sor.u32 $0x20, s4;
	vm8 =	vlt.u32 v2, v1;
	v2 =	vmov s12;
	v3 =	vpop (erf)  }
0xb5: {  	s15 =	sor.u32 $0x30, s4;
	vm9 =	vlt.u32 v2, v1;
	v2 =	vmov s14;
	v4 =	vpop (erf);
	v3 =	vnsel vm8, $0x0, v3  }
0xb6: {  	s16 =	sor.u32 $0x40, s4;
	vm10 =	vlt.u32 v2, v1;
	v2 =	vmov s15;
	v5 =	vpop (erf);
	[tilespmem:s11+$0x600] =	vst v3;
	v3 =	vnsel vm9, $0x0, v4  }
0xb7: {  	s13 =	sor.u32 $0x50, s4;
	vm11 =	vlt.u32 v2, v1;
	v2 =	vmov s16;
	v4 =	vpop (erf);
	[tilespmem:s11+$0x610] =	vst v3;
	v3 =	vnsel vm10, $0x0, v5  }
0xb8: {  	s14 =	sor.u32 $0x60, s4;
	vm12 =	vlt.u32 v2, v1;
	v2 =	vmov s13;
	v5 =	vpop (erf);
	[tilespmem:s11+$0x620] =	vst v3;
	v3 =	vnsel vm11, $0x0, v4  }
0xb9: {  	s15 =	sor.u32 $0x70, s4;
	vm13 =	vlt.u32 v2, v1;
	v2 =	vmov s14;
	v4 =	vpop (erf);
	[tilespmem:s11+$0x630] =	vst v3;
	v3 =	vnsel vm12, $0x0, v5  }
0xba: {  	vm14 =	vlt.u32 v2, v1;
	v2 =	vmov s15;
	v5 =	vpop (erf);
	[tilespmem:s11+$0x640] =	vst v3;
	v3 =	vnsel vm13, $0x0, v4  }
0xbb: {  	s16 =	simm.s32 $0x0;
	vm15 =	vlt.u32 v2, v1;
	[tilespmem:s11+$0x650] =	vst v3;
	v3 =	vnsel vm14, $0x0, v5;
	v4 =	vpop (erf)  }
0xbc: {  	s13 =	sshll.u32 s1, $0xE;
	[tilespmem:s11+$0x660] =	vst v3;
	v2 =	vnsel vm15, $0x0, v4;
	v3 =	vmov s16  }
0xbd: {  	s15 =	sor.u32 $0x740, s13;
	[tilespmem:s11+$0x670] =	vst v2  }
0xbe: {  	v6 =	vld [tilespmem:s15+$0x30]  }
0xbf: {  	v9 =	vld [tilespmem:s15+$0x10]  }
0xc0: {  	s11 =	sor.u32 $0x600, s11;
	v7 =	vld [tilespmem:s15+$0xFFFFFFC0]  }
0xc1: {  	v3 =	vld.idx.msk [tilespmem:v3+s11+$0x0], $0xffff  }
0xc2: {  	v11 =	vld [tilespmem:s15+$0xFFFFFFE0]  }
0xc3: {  	v2 =	vld [tilespmem:s15+$0xFFFFFFF0]  }
0xc4: {  	v4 =	vld [tilespmem:s15+$0x20]  }
0xc5: {  	v5 =	vld [tilespmem:s15+$0xFFFFFFD0]  }
0xc6: {  	v10 =	vmul.f32 v6, v3;
	v6 =	vld [tilespmem:s15+$0x0]  }
0xc7: {  	v8 =	vmul.f32 v7, v3  }
0xc8: {  	s14 =	simm.s32 $0x1;
	s13 =	sor.u32 $0x700, s13;
	s12 =	smov.u32 s15;
	v7 =	vmul.f32 v11, v3;
	v9 =	vmul.f32 v9, v3  }
.LBB2_7:
0xc9: {  	p0 =	sne.s32 s14, $0x7F  }
0xca: {  	v5 =	vmul.f32 v5, v3;
	v4 =	vmul.f32 v4, v3;
	[tilespmem:s15+$0x30] =	vst v10;
	s12 =	sadd.s32 $0x80, s12;
	s16 =	smov.u32 s14;
	s14 =	sadd.s32 $0x1, s14  }
0xcb: {  	[tilespmem:s15+$0xFFFFFFC0] =	vst v8;
	v8 =	vmul.f32 v2, v3;
	v3 =	vmul.f32 v6, v3  }
0xcc: {  	[tilespmem:s15+$0x10] =	vst v9  }
0xcd: {  	v6 =	vmov s16;
	[tilespmem:s15+$0xFFFFFFE0] =	vst v7  }
0xce: {  	v2 =	vld [tilespmem:s12+$0xFFFFFFF0];
	[tilespmem:s15+$0xFFFFFFF0] =	vst v8  }
0xcf: {  	v7 =	vld [tilespmem:s12+$0x30];
	[tilespmem:s15+$0x0] =	vst v3  }
0xd0: {  	v9 =	vld [tilespmem:s12+$0x10];
	[tilespmem:s15+$0x20] =	vst v4  }
0xd1: {  	v8 =	vld [tilespmem:s12+$0xFFFFFFC0];
	[tilespmem:s15+$0xFFFFFFD0] =	vst v5;
	s15 =	smov.u32 s12  }
0xd2: {  	v3 =	vld.idx.msk [tilespmem:v6+s11+$0x0], $0xffff  }
0xd3: {  	v11 =	vld [tilespmem:s12+$0xFFFFFFE0]  }
0xd4: {  	v4 =	vld [tilespmem:s12+$0x20]  }
.Ltmp2:
0xd5: {  	v5 =	vld [tilespmem:s12+$0xFFFFFFD0];
	(pc) =	sbr.rel @p0 .LBB2_7-.Ltmp2, $3  }
0xd6: {  	v6 =	vld [tilespmem:s12+$0x0];
	_ =	sdelay $0x1  }
0xd7: {  	v8 =	vmul.f32 v8, v3;
	v10 =	vmul.f32 v7, v3  }
0xd8: {  	v9 =	vmul.f32 v9, v3;
	v7 =	vmul.f32 v11, v3  }
0xd9: {  	[tilespmem:s15+$0x30] =	vst v10  }
0xda: {  	[tilespmem:s15+$0xFFFFFFC0] =	vst v8  }
0xdb: {  	v2 =	vmul.f32 v2, v3;
	[tilespmem:s15+$0x10] =	vst v9  }
0xdc: {  	v4 =	vmul.f32 v4, v3;
	[tilespmem:s15+$0xFFFFFFE0] =	vst v7  }
0xdd: {  	v6 =	vmul.f32 v6, v3;
	[tilespmem:s15+$0xFFFFFFF0] =	vst v2  }
0xde: {  	v2 =	vmul.f32 v5, v3;
	[tilespmem:s15+$0x20] =	vst v4  }
0xdf: {  	s4 =	sand.u32 $0x180, s4;
	p0 =	slt.u32 s10, $0x54;
	[tilespmem:s15+$0x0] =	vst v6  }
.Ltmp3:
0xe0: {  	s1 =	sadd.s32 $0x7, s1;
	s4 =	sor.u32 $0x200, s4;
	[tilespmem:s15+$0xFFFFFFD0] =	vst v2;
	(pc) =	sbr.rel @p0 .LBB2_4-.Ltmp3, $4  }
0xe1: {  	[spmem:s2] =	stream.indirect.scatter.add.f32 [tilespmem:s13], [sflag:s1], $0x80, s4, s29, $0xb8;
	[tilespmem:$0x1C980] =	vst v63  }
0xe2: {  	_ = 	snop  }
0xe3: {  	[spmem:s3] =	stream.indirect.scatter.add.f32 [tilespmem:s11], [sflag:s1], $0x1, s4, s29, $0xb8;
	[tilespmem:$0x1C980] =	vst v63  }
0xe4: {  	s4 =	smov.u32 s10  }
0xe5: {  	_ =	swait.ge [sflag:s31], $0x4000  }
0xe6: {  	[sflag:s31] =	ssyncset.done $0x0  }
0xe7: {  	[sflag:s31] =	ssyncadd.s32 $0xFFFFC000  }
0xe8: {  	_ =	swait.ge [sflag:s31], $0x80  }
0xe9: {  	s1 =	stileid.u32;
	[sflag:s31] =	ssyncset.done $0x0  }
0xea: {  	s1 =	sshll.u32 s1, $0x6;
	[sflag:s31] =	ssyncadd.s32 $0xFFFFFF80  }
0xeb: {  	s4 =	sshrl.u32 s9, $0x3;
	s1 =	sor.u32 $0x1C09, s1;
	[bflag:$0x0] =	sbarrier.arrive $0xFFFF  }
0xec: {  	[hbm:s21], [sflag:s1] =	dma.local [spmem:s4], $0x2800  }
0xed: {  	_ =	swait.ge [sflag:s26], $0x2800  }
0xee: {  	[sflag:s26] =	ssyncset.done $0x0  }
0xef: {  	s15 =	simm.s32 $0x20;
	s10 =	simm.s32 $0x10;
	[sflag:s26] =	ssyncadd.s32 $0xFFFFD800  }
0xf0: {  	[hbm:s23@s15], [sflag:s1] =	dma.strided [spmem:s25@s10], $0x50, s30, $0x10   }
0xf1: {  	_ =	swait.ge [sflag:s26], $0x50  }
0xf2: {  	s0 =	sadd.s32 $0x1, s0;
	s16 =	rddreg [dreg:$0x5]  }
0xf3: {  	p0 =	sne.s32 s0, s16  }
.Ltmp4:
0xf4: {  	_ = 	snop;
	(pc) =	sbr.rel @p0 .LBB2_1-.Ltmp4, $3  }
0xf5: {  	_ =	sdelay $0x1  }
0xf6: {  	[sflag:s26] =	ssyncset.done $0x0  }
0xf7: {  	[sflag:s26] =	ssyncadd.s32 $0xFFFFFFB0  }
0xf8: {  	_ =	sfence.sel $0x180000  }
0xf9: {  	[bflag:$0x0] =	sbarrier.arrive $0xFFFF  }
0xfa: {  	_ =	strace $0x90000047  }
0xfb: {  	s0 =	stileid.u32;
	[bflag:$0x2] =	sbarrier.arrive $0xFFFF  }
0xfc: {  	p0 =	sne.s32 s0, $0x0;
	s0 =	rddreg [dreg:$0x4]  }
0xfd: {  	s0 =	sadd.s32 @!p0 $0x100000, s0  }
0xfe: {  	[sflag:s0] =	ssyncadd.tile.s32 @!p0 $0x1;
	_ =	shalt  }
.Lfunc_end2:
_tile_overlayer_lowered:
.L_overlay_start_2:
0xff: {  	(tag) =	ssettag $0x2  }
0x100: {  	s0 =	rddreg [dreg:$0x0];
	s2 =	stileid.u32  }
0x101: {  	s1 =	rddreg [dreg:$0x1];
	p0 =	sne.s32 s2, $0x0  }
0x102: {  	s3 =	rddreg [dreg:$0x2];
	[bflag:$0x3] =	sbarrier.arrive $0xFFFF;
	s2 =	simm.s32 @!p0 $0x1C09  }
0x103: {  	[timem:s3], [sflag:s2] =	dma.local @!p0 [hbm:s0], s1  }
0x104: {  	s0 =	simm.s32 @!p0 $0x9  }
0x105: {  	_ =	swait.ge @!p0 [sflag:s0], s1  }
0x106: {  	s1 =	ssub.s32 @!p0 $0x0, s1;
	[sflag:s0] =	ssyncset.done @!p0 $0x0  }
0x107: {  	[sflag:s0] =	ssyncadd.s32 @!p0 s1  }
0x108: {  	[bflag:$0x3] =	sbarrier.arrive $0xFFFF  }
0x109: {  	_ =	shalt  }

</sc_bundles>
